<compile_context>
chip_gen: v7x
topology: tpu7x:2x2x1
jax: 0.10.2.dev20260603
libtpu: 0.0.44.dev20260713+nightly
codegen_flags: <defaults>
</compile_context>

<pallas_src>
import functools

import jax
import jax.numpy as jnp
from jax import lax
from jax.experimental import pallas as pl
from jax.experimental.pallas import tpu as pltpu
from jax.experimental.pallas import tpu_sc as plsc

B = 4096
L = 200
C = 64
LP = 200
NC = 2
NS = 16
NW = NC * NS
RPT = B // NW
NB = 2
CHUNKS = RPT // NB
NBL = NB * L

_mesh = plsc.VectorSubcoreMesh(core_axis_name="c", subcore_axis_name="s")


@functools.partial(
    pl.kernel,
    out_type=jax.ShapeDtypeStruct((B, C, L), jnp.float32),
    mesh=_mesh,
    scratch_types=[
        pltpu.VMEM((2, NBL), jnp.int32),
        pltpu.VMEM((2, NBL + 16), jnp.float32),
        pltpu.VMEM((2, NBL, C), jnp.float32),
        pltpu.VMEM((2, NB, C, LP), jnp.float32),
        pltpu.SemaphoreType.DMA,
        pltpu.SemaphoreType.DMA,
        pltpu.SemaphoreType.DMA,
        pltpu.SemaphoreType.DMA,
    ],
    compiler_params=pltpu.CompilerParams(
        use_tc_tiling_on_sc=False, needs_layout_passes=False
    ),
)
def _emb(table_hbm, x_hbm, mask_hbm, out_hbm,
         idx_v, m_v, rows_v, out_v, gsem0, gsem1, ssem0, ssem1):
    gsems = (gsem0, gsem1)
    ssems = (ssem0, ssem1)
    wid = lax.axis_index("s") * NC + lax.axis_index("c")
    iota = lax.iota(jnp.int32, 16)

    def issue(c, p):
        ibase = (wid * RPT + c * NB) * L
        pltpu.sync_copy(x_hbm.at[pl.ds(ibase, NBL)], idx_v.at[p])
        pltpu.sync_copy(mask_hbm.at[pl.ds(ibase, NBL)],
                        m_v.at[p, pl.ds(0, NBL)])
        pltpu.async_copy(table_hbm.at[idx_v.at[p]], rows_v.at[p], gsems[p])
        for j in range(NBL // 16):
            m_v[p, pl.ds(j * 16, 16)] = m_v[p, pl.ds(j * 16, 16)] * 8.0

    def wait_gather(p):
        pltpu.make_async_copy(
            table_hbm.at[idx_v.at[p]], rows_v.at[p], gsems[p]).wait()

    def store(c, p):
        b0 = wid * RPT + c * NB
        pltpu.async_copy(out_v.at[p], out_hbm.at[pl.ds(b0, NB)], ssems[p])

    def wait_store(c, p):
        b0 = wid * RPT + c * NB
        pltpu.make_async_copy(out_v.at[p], out_hbm.at[pl.ds(b0, NB)],
                              ssems[p]).wait()

    def transpose(p):
        rowvs = [iota + cg * 16 for cg in range(C // 16)]
        for b in range(NB):

            @functools.partial(plsc.parallel_loop, 0, L, unroll=4)
            def _lbody(l, rowvs=rowvs, b=b):
                r = b * L + l
                mv = m_v[p, pl.ds(r, 16)]
                mm = jnp.full((16,), mv[0], jnp.float32)
                col = jnp.full((16,), l, jnp.int32)
                for cg in range(C // 16):
                    v = rows_v[p, r, pl.ds(cg * 16, 16)]
                    plsc.store_scatter(out_v.at[p, b], [rowvs[cg], col],
                                       v * mm)

    issue(0, 0)

    def epoch(e, carry):
        for p in range(2):
            c = 2 * e + p

            @pl.when(c + 1 < CHUNKS)
            def _():
                issue(c + 1, 1 - p)

            wait_gather(p)

            @pl.when(c >= 2)
            def _():
                wait_store(c - 2, p)

            transpose(p)
            store(c, p)
        return carry

    lax.fori_loop(0, CHUNKS // 2, epoch, 0)
    wait_store(CHUNKS - 2, 0)
    wait_store(CHUNKS - 1, 1)


def kernel(x, mask, table):
    x_flat = x.reshape(-1).astype(jnp.int32)
    mask_flat = mask.reshape(-1).astype(jnp.float32)
    return _emb(table, x_flat, mask_flat)

# --- scband reference (transcript-rebuilt; emitter-appended) ---
"""Pipeline reference for scband-phoneme-embedding-38087769981285 (READ-ONLY COPY).

The authoritative reference and input builder live on the scoring server;
editing this copy changes nothing except your own understanding.
"""

import math
import jax, jax.numpy as jnp
import numpy as np

NUM_VOCAB = 100000
CHANNELS = 64
B = 4096
L = 200


def setup_inputs(seed: int = 0) -> dict:
    key = jax.random.key(seed)
    k1, k2 = jax.random.split(key, 2)
    x = jax.random.randint(k1, (B, L), 0, NUM_VOCAB, dtype=jnp.int64 if jax.config.jax_enable_x64 else jnp.int32)
    mask = jnp.ones((B, 1, L), dtype=jnp.float32)
    # nn.Embedding weight initialized Normal(0, channels**-0.5), padding_idx=0 row zeroed
    table = jax.random.normal(k2, (NUM_VOCAB, CHANNELS), dtype=jnp.float32) * (CHANNELS ** (-0.5))
    table = table.at[0].set(0.0)
    return {"x": x, "mask": mask, "table": table}


def reference(x, mask, table):
    # x: int[B, L] -> embed -> [B, L, C]
    h = jnp.take(table, x, axis=0)
    # do_scale=True
    h = h * math.sqrt(CHANNELS)
    # transpose(-1, -2) -> [B, C, L]
    h = jnp.swapaxes(h, -1, -2)
    # mask: [B, 1, L] broadcasts over channel dim
    h = h * mask
    return h

if __name__ == "__main__":
    import jax
    _d = setup_inputs()
    print(jax.jit(kernel)(*tuple(_d.values())))

</pallas_src>

<mosaic_0001>
#map = affine_map<(d0, d1) -> (0, 0)>
#map1 = affine_map<(d0, d1) -> (0)>
#map2 = affine_map<(d0, d1) -> (0, 0, 0)>
module attributes {stable_mosaic.version = 14 : i64} {
  func.func @_emb(%arg0: i32, %arg1: i32, %arg2: memref<100000x64xf32, #tpu.memory_space<hbm>>, %arg3: memref<819200xi32, #tpu.memory_space<hbm>>, %arg4: memref<819200xf32, #tpu.memory_space<hbm>>, %arg5: memref<4096x64x200xf32, #tpu.memory_space<hbm>>, %arg6: memref<2x400xi32, #tpu.memory_space<vmem>>, %arg7: memref<2x416xf32, #tpu.memory_space<vmem>>, %arg8: memref<2x400x64xf32, #tpu.memory_space<vmem>>, %arg9: memref<2x2x64x200xf32, #tpu.memory_space<vmem>>, %arg10: memref<!tpu.dma_semaphore, #tpu.memory_space<semaphore_mem>>, %arg11: memref<!tpu.dma_semaphore, #tpu.memory_space<semaphore_mem>>, %arg12: memref<!tpu.dma_semaphore, #tpu.memory_space<semaphore_mem>>, %arg13: memref<!tpu.dma_semaphore, #tpu.memory_space<semaphore_mem>>) attributes {dimension_semantics = [#tpu.dimension_semantics<core_parallel>, #tpu.dimension_semantics<subcore_parallel>], iteration_bounds = array<i64: 2, 16>, scalar_prefetch = 0 : i64, scratch_operands = 8 : i64, tpu.core_type = #tpu.core_type<sc_vector_subcore>, window_params = [{transform_indices = #map}, {transform_indices = #map1}, {transform_indices = #map1}, {transform_indices = #map2}]} {
    %mul3A = arith.constant 2 : i32
    %mul3A_0 = arith.muli %arg1, %mul3A : i32
    %add3A = arith.addi %mul3A_0, %arg0 : i32
    %iota3A = tpu.iota {dimensions = array<i32: 0>} : vector<16xi32>
    %mul3A_1 = arith.constant 128 : i32
    %mul3A_2 = arith.muli %add3A, %mul3A_1 : i32
    %add3A_3 = arith.constant 0 : i32
    %add3A_4 = arith.addi %mul3A_2, %add3A_3 : i32
    %mul3A_5 = arith.constant 200 : i32
    %mul3A_6 = arith.muli %add3A_4, %mul3A_5 : i32
    %run_scoped3A = arith.constant 0 : i32
    "tpu.region"() ({
      %run_scoped3A_338 = tpu.sem_alloc : memref<!tpu.dma_semaphore, #tpu.memory_space<semaphore_mem>>
      %dma_start3A_339 = arith.constant 0 : i32
      %dma_start3A_340 = tpu.memref_slice %arg6[%run_scoped3A, %dma_start3A_339] : memref<2x400xi32, #tpu.memory_space<vmem>> -> memref<1x400xi32, #tpu.memory_space<vmem>>
      %dma_start3A_341 = tpu.memref_squeeze %dma_start3A_340 : memref<1x400xi32, #tpu.memory_space<vmem>> -> memref<400xi32, #tpu.memory_space<vmem>>
      %dma_start3A_342 = tpu.memref_slice %arg3[%mul3A_6] : memref<819200xi32, #tpu.memory_space<hbm>> -> memref<400xi32, #tpu.memory_space<hbm>>
      %dma_start3A_343 = arith.constant 0 : i32
      %dma_start3A_344 = tpu.memref_slice %arg6[%run_scoped3A, %dma_start3A_343] : memref<2x400xi32, #tpu.memory_space<vmem>> -> memref<1x400xi32, #tpu.memory_space<vmem>>
      %dma_start3A_345 = tpu.memref_squeeze %dma_start3A_344 : memref<1x400xi32, #tpu.memory_space<vmem>> -> memref<400xi32, #tpu.memory_space<vmem>>
      %dma_start3A_346 = tpu.memref_slice %arg3[%mul3A_6] : memref<819200xi32, #tpu.memory_space<hbm>> -> memref<400xi32, #tpu.memory_space<hbm>>
      tpu.enqueue_dma source(%dma_start3A_346 : memref<400xi32, #tpu.memory_space<hbm>>) target(%dma_start3A_345 : memref<400xi32, #tpu.memory_space<vmem>>) target_semaphore(%run_scoped3A_338 : memref<!tpu.dma_semaphore, #tpu.memory_space<semaphore_mem>>)
      %dma_wait3A_347 = arith.constant 0 : i32
      %dma_wait3A_348 = tpu.memref_slice %arg6[%run_scoped3A, %dma_wait3A_347] : memref<2x400xi32, #tpu.memory_space<vmem>> -> memref<1x400xi32, #tpu.memory_space<vmem>>
      %dma_wait3A_349 = tpu.memref_squeeze %dma_wait3A_348 : memref<1x400xi32, #tpu.memory_space<vmem>> -> memref<400xi32, #tpu.memory_space<vmem>>
      %dma_wait3A_350 = tpu.memref_slice %arg3[%mul3A_6] : memref<819200xi32, #tpu.memory_space<hbm>> -> memref<400xi32, #tpu.memory_space<hbm>>
      %dma_wait3A_351 = arith.constant 0 : i32
      %dma_wait3A_352 = tpu.memref_slice %arg6[%run_scoped3A, %dma_wait3A_351] : memref<2x400xi32, #tpu.memory_space<vmem>> -> memref<1x400xi32, #tpu.memory_space<vmem>>
      %dma_wait3A_353 = tpu.memref_squeeze %dma_wait3A_352 : memref<1x400xi32, #tpu.memory_space<vmem>> -> memref<400xi32, #tpu.memory_space<vmem>>
      %dma_wait3A_354 = tpu.memref_slice %arg3[%mul3A_6] : memref<819200xi32, #tpu.memory_space<hbm>> -> memref<400xi32, #tpu.memory_space<hbm>>
      tpu.wait_dma2 semaphore(%run_scoped3A_338 : memref<!tpu.dma_semaphore, #tpu.memory_space<semaphore_mem>>) src(%dma_wait3A_354 : memref<400xi32, #tpu.memory_space<hbm>>) dst(%dma_wait3A_353 : memref<400xi32, #tpu.memory_space<vmem>>)
      tpu.yield
    }) : () -> ()
    %run_scoped3A_7 = arith.constant 0 : i32
    "tpu.region"() ({
      %run_scoped3A_338 = tpu.sem_alloc : memref<!tpu.dma_semaphore, #tpu.memory_space<semaphore_mem>>
      %dma_start3A_339 = arith.constant 0 : i32
      %dma_start3A_340 = tpu.memref_slice %arg7[%run_scoped3A_7, %dma_start3A_339] : memref<2x416xf32, #tpu.memory_space<vmem>> -> memref<1x400xf32, #tpu.memory_space<vmem>>
      %dma_start3A_341 = tpu.memref_squeeze %dma_start3A_340 : memref<1x400xf32, #tpu.memory_space<vmem>> -> memref<400xf32, #tpu.memory_space<vmem>>
      %dma_start3A_342 = tpu.memref_slice %arg4[%mul3A_6] : memref<819200xf32, #tpu.memory_space<hbm>> -> memref<400xf32, #tpu.memory_space<hbm>>
      %dma_start3A_343 = arith.constant 0 : i32
      %dma_start3A_344 = tpu.memref_slice %arg7[%run_scoped3A_7, %dma_start3A_343] : memref<2x416xf32, #tpu.memory_space<vmem>> -> memref<1x400xf32, #tpu.memory_space<vmem>>
      %dma_start3A_345 = tpu.memref_squeeze %dma_start3A_344 : memref<1x400xf32, #tpu.memory_space<vmem>> -> memref<400xf32, #tpu.memory_space<vmem>>
      %dma_start3A_346 = tpu.memref_slice %arg4[%mul3A_6] : memref<819200xf32, #tpu.memory_space<hbm>> -> memref<400xf32, #tpu.memory_space<hbm>>
      tpu.enqueue_dma source(%dma_start3A_346 : memref<400xf32, #tpu.memory_space<hbm>>) target(%dma_start3A_345 : memref<400xf32, #tpu.memory_space<vmem>>) target_semaphore(%run_scoped3A_338 : memref<!tpu.dma_semaphore, #tpu.memory_space<semaphore_mem>>)
      %dma_wait3A_347 = arith.constant 0 : i32
      %dma_wait3A_348 = tpu.memref_slice %arg7[%run_scoped3A_7, %dma_wait3A_347] : memref<2x416xf32, #tpu.memory_space<vmem>> -> memref<1x400xf32, #tpu.memory_space<vmem>>
      %dma_wait3A_349 = tpu.memref_squeeze %dma_wait3A_348 : memref<1x400xf32, #tpu.memory_space<vmem>> -> memref<400xf32, #tpu.memory_space<vmem>>
      %dma_wait3A_350 = tpu.memref_slice %arg4[%mul3A_6] : memref<819200xf32, #tpu.memory_space<hbm>> -> memref<400xf32, #tpu.memory_space<hbm>>
      %dma_wait3A_351 = arith.constant 0 : i32
      %dma_wait3A_352 = tpu.memref_slice %arg7[%run_scoped3A_7, %dma_wait3A_351] : memref<2x416xf32, #tpu.memory_space<vmem>> -> memref<1x400xf32, #tpu.memory_space<vmem>>
      %dma_wait3A_353 = tpu.memref_squeeze %dma_wait3A_352 : memref<1x400xf32, #tpu.memory_space<vmem>> -> memref<400xf32, #tpu.memory_space<vmem>>
      %dma_wait3A_354 = tpu.memref_slice %arg4[%mul3A_6] : memref<819200xf32, #tpu.memory_space<hbm>> -> memref<400xf32, #tpu.memory_space<hbm>>
      tpu.wait_dma2 semaphore(%run_scoped3A_338 : memref<!tpu.dma_semaphore, #tpu.memory_space<semaphore_mem>>) src(%dma_wait3A_354 : memref<400xf32, #tpu.memory_space<hbm>>) dst(%dma_wait3A_353 : memref<400xf32, #tpu.memory_space<vmem>>)
      tpu.yield
    }) : () -> ()
    %dma_start3A = arith.constant 0 : i32
    %dma_start3A_8 = arith.constant 0 : i32
    %dma_start3A_9 = arith.constant 0 : i32
    %dma_start3A_10 = arith.constant 0 : i32
    %dma_start3A_11 = tpu.memref_slice %arg8[%dma_start3A_8, %dma_start3A_9, %dma_start3A_10] : memref<2x400x64xf32, #tpu.memory_space<vmem>> -> memref<1x400x64xf32, #tpu.memory_space<vmem>>
    %dma_start3A_12 = tpu.memref_squeeze %dma_start3A_11 : memref<1x400x64xf32, #tpu.memory_space<vmem>> -> memref<400x64xf32, #tpu.memory_space<vmem>>
    %dma_start3A_13 = arith.constant 0 : i32
    %dma_start3A_14 = tpu.memref_slice %arg6[%dma_start3A, %dma_start3A_13] : memref<2x400xi32, #tpu.memory_space<vmem>> -> memref<1x400xi32, #tpu.memory_space<vmem>>
    %dma_start3A_15 = tpu.memref_squeeze %dma_start3A_14 : memref<1x400xi32, #tpu.memory_space<vmem>> -> memref<400xi32, #tpu.memory_space<vmem>>
    %dma_start3A_16 = arith.constant 0 : i32
    %dma_start3A_17 = arith.constant 0 : i32
    %dma_start3A_18 = tpu.memref_slice %arg2[%dma_start3A_16, %dma_start3A_17] : memref<100000x64xf32, #tpu.memory_space<hbm>> -> memref<100000x64xf32, #tpu.memory_space<hbm>>
    tpu.enqueue_indirect_dma source(%dma_start3A_18 : memref<100000x64xf32, #tpu.memory_space<hbm>>) target(%dma_start3A_12 : memref<400x64xf32, #tpu.memory_space<vmem>>) offsets(%dma_start3A_15 : memref<400xi32, #tpu.memory_space<vmem>>) semaphore(%arg10 : memref<!tpu.dma_semaphore, #tpu.memory_space<semaphore_mem>>)
    %get3A = arith.constant 0 : i32
    %get3A_19 = arith.index_cast %get3A : i32 to index
    %get3A_20 = arith.constant 0 : index
    %get3A_21 = tpu.vector_load %arg7[%get3A_19, %get3A_20] {strides = array<i32>} : memref<2x416xf32, #tpu.memory_space<vmem>>, vector<16xf32>,
    %mul3A_22 = arith.constant 8.000000e+00 : f32
    %mul3A_23 = vector.broadcast %mul3A_22 : f32 to vector<16xf32>
    %mul3A_24 = arith.mulf %get3A_21, %mul3A_23 : vector<16xf32>
    %swap3A = arith.constant 0 : i32
    %swap3A_25 = arith.index_cast %swap3A : i32 to index
    %swap3A_26 = arith.constant 0 : index
    %swap3A_27 = tpu.vector_load %arg7[%swap3A_25, %swap3A_26] {strides = array<i32>} : memref<2x416xf32, #tpu.memory_space<vmem>>, vector<16xf32>,
    tpu.vector_store %arg7[%swap3A_25, %swap3A_26], %mul3A_24 {strides = array<i32>} : memref<2x416xf32, #tpu.memory_space<vmem>>, vector<16xf32>,
    %get3A_28 = arith.constant 0 : i32
    %get3A_29 = arith.index_cast %get3A_28 : i32 to index
    %get3A_30 = arith.constant 16 : index
    %get3A_31 = tpu.vector_load %arg7[%get3A_29, %get3A_30] {strides = array<i32>} : memref<2x416xf32, #tpu.memory_space<vmem>>, vector<16xf32>,
    %mul3A_32 = arith.constant 8.000000e+00 : f32
    %mul3A_33 = vector.broadcast %mul3A_32 : f32 to vector<16xf32>
    %mul3A_34 = arith.mulf %get3A_31, %mul3A_33 : vector<16xf32>
    %swap3A_35 = arith.constant 0 : i32
    %swap3A_36 = arith.index_cast %swap3A_35 : i32 to index
    %swap3A_37 = arith.constant 16 : index
    %swap3A_38 = tpu.vector_load %arg7[%swap3A_36, %swap3A_37] {strides = array<i32>} : memref<2x416xf32, #tpu.memory_space<vmem>>, vector<16xf32>,
    tpu.vector_store %arg7[%swap3A_36, %swap3A_37], %mul3A_34 {strides = array<i32>} : memref<2x416xf32, #tpu.memory_space<vmem>>, vector<16xf32>,
    %get3A_39 = arith.constant 0 : i32
    %get3A_40 = arith.index_cast %get3A_39 : i32 to index
    %get3A_41 = arith.constant 32 : index
    %get3A_42 = tpu.vector_load %arg7[%get3A_40, %get3A_41] {strides = array<i32>} : memref<2x416xf32, #tpu.memory_space<vmem>>, vector<16xf32>,
    %mul3A_43 = arith.constant 8.000000e+00 : f32
    %mul3A_44 = vector.broadcast %mul3A_43 : f32 to vector<16xf32>
    %mul3A_45 = arith.mulf %get3A_42, %mul3A_44 : vector<16xf32>
    %swap3A_46 = arith.constant 0 : i32
    %swap3A_47 = arith.index_cast %swap3A_46 : i32 to index
    %swap3A_48 = arith.constant 32 : index
    %swap3A_49 = tpu.vector_load %arg7[%swap3A_47, %swap3A_48] {strides = array<i32>} : memref<2x416xf32, #tpu.memory_space<vmem>>, vector<16xf32>,
    tpu.vector_store %arg7[%swap3A_47, %swap3A_48], %mul3A_45 {strides = array<i32>} : memref<2x416xf32, #tpu.memory_space<vmem>>, vector<16xf32>,
    %get3A_50 = arith.constant 0 : i32
    %get3A_51 = arith.index_cast %get3A_50 : i32 to index
    %get3A_52 = arith.constant 48 : index
    %get3A_53 = tpu.vector_load %arg7[%get3A_51, %get3A_52] {strides = array<i32>} : memref<2x416xf32, #tpu.memory_space<vmem>>, vector<16xf32>,
    %mul3A_54 = arith.constant 8.000000e+00 : f32
    %mul3A_55 = vector.broadcast %mul3A_54 : f32 to vector<16xf32>
    %mul3A_56 = arith.mulf %get3A_53, %mul3A_55 : vector<16xf32>
    %swap3A_57 = arith.constant 0 : i32
    %swap3A_58 = arith.index_cast %swap3A_57 : i32 to index
    %swap3A_59 = arith.constant 48 : index
    %swap3A_60 = tpu.vector_load %arg7[%swap3A_58, %swap3A_59] {strides = array<i32>} : memref<2x416xf32, #tpu.memory_space<vmem>>, vector<16xf32>,
    tpu.vector_store %arg7[%swap3A_58, %swap3A_59], %mul3A_56 {strides = array<i32>} : memref<2x416xf32, #tpu.memory_space<vmem>>, vector<16xf32>,
    %get3A_61 = arith.constant 0 : i32
    %get3A_62 = arith.index_cast %get3A_61 : i32 to index
    %get3A_63 = arith.constant 64 : index
    %get3A_64 = tpu.vector_load %arg7[%get3A_62, %get3A_63] {strides = array<i32>} : memref<2x416xf32, #tpu.memory_space<vmem>>, vector<16xf32>,
    %mul3A_65 = arith.constant 8.000000e+00 : f32
    %mul3A_66 = vector.broadcast %mul3A_65 : f32 to vector<16xf32>
    %mul3A_67 = arith.mulf %get3A_64, %mul3A_66 : vector<16xf32>
    %swap3A_68 = arith.constant 0 : i32
    %swap3A_69 = arith.index_cast %swap3A_68 : i32 to index
    %swap3A_70 = arith.constant 64 : index
    %swap3A_71 = tpu.vector_load %arg7[%swap3A_69, %swap3A_70] {strides = array<i32>} : memref<2x416xf32, #tpu.memory_space<vmem>>, vector<16xf32>,
    tpu.vector_store %arg7[%swap3A_69, %swap3A_70], %mul3A_67 {strides = array<i32>} : memref<2x416xf32, #tpu.memory_space<vmem>>, vector<16xf32>,
    %get3A_72 = arith.constant 0 : i32
    %get3A_73 = arith.index_cast %get3A_72 : i32 to index
    %get3A_74 = arith.constant 80 : index
    %get3A_75 = tpu.vector_load %arg7[%get3A_73, %get3A_74] {strides = array<i32>} : memref<2x416xf32, #tpu.memory_space<vmem>>, vector<16xf32>,
    %mul3A_76 = arith.constant 8.000000e+00 : f32
    %mul3A_77 = vector.broadcast %mul3A_76 : f32 to vector<16xf32>
    %mul3A_78 = arith.mulf %get3A_75, %mul3A_77 : vector<16xf32>
    %swap3A_79 = arith.constant 0 : i32
    %swap3A_80 = arith.index_cast %swap3A_79 : i32 to index
    %swap3A_81 = arith.constant 80 : index
    %swap3A_82 = tpu.vector_load %arg7[%swap3A_80, %swap3A_81] {strides = array<i32>} : memref<2x416xf32, #tpu.memory_space<vmem>>, vector<16xf32>,
    tpu.vector_store %arg7[%swap3A_80, %swap3A_81], %mul3A_78 {strides = array<i32>} : memref<2x416xf32, #tpu.memory_space<vmem>>, vector<16xf32>,
    %get3A_83 = arith.constant 0 : i32
    %get3A_84 = arith.index_cast %get3A_83 : i32 to index
    %get3A_85 = arith.constant 96 : index
    %get3A_86 = tpu.vector_load %arg7[%get3A_84, %get3A_85] {strides = array<i32>} : memref<2x416xf32, #tpu.memory_space<vmem>>, vector<16xf32>,
    %mul3A_87 = arith.constant 8.000000e+00 : f32
    %mul3A_88 = vector.broadcast %mul3A_87 : f32 to vector<16xf32>
    %mul3A_89 = arith.mulf %get3A_86, %mul3A_88 : vector<16xf32>
    %swap3A_90 = arith.constant 0 : i32
    %swap3A_91 = arith.index_cast %swap3A_90 : i32 to index
    %swap3A_92 = arith.constant 96 : index
    %swap3A_93 = tpu.vector_load %arg7[%swap3A_91, %swap3A_92] {strides = array<i32>} : memref<2x416xf32, #tpu.memory_space<vmem>>, vector<16xf32>,
    tpu.vector_store %arg7[%swap3A_91, %swap3A_92], %mul3A_89 {strides = array<i32>} : memref<2x416xf32, #tpu.memory_space<vmem>>, vector<16xf32>,
    %get3A_94 = arith.constant 0 : i32
    %get3A_95 = arith.index_cast %get3A_94 : i32 to index
    %get3A_96 = arith.constant 112 : index
    %get3A_97 = tpu.vector_load %arg7[%get3A_95, %get3A_96] {strides = array<i32>} : memref<2x416xf32, #tpu.memory_space<vmem>>, vector<16xf32>,
    %mul3A_98 = arith.constant 8.000000e+00 : f32
    %mul3A_99 = vector.broadcast %mul3A_98 : f32 to vector<16xf32>
    %mul3A_100 = arith.mulf %get3A_97, %mul3A_99 : vector<16xf32>
    %swap3A_101 = arith.constant 0 : i32
    %swap3A_102 = arith.index_cast %swap3A_101 : i32 to index
    %swap3A_103 = arith.constant 112 : index
    %swap3A_104 = tpu.vector_load %arg7[%swap3A_102, %swap3A_103] {strides = array<i32>} : memref<2x416xf32, #tpu.memory_space<vmem>>, vector<16xf32>,
    tpu.vector_store %arg7[%swap3A_102, %swap3A_103], %mul3A_100 {strides = array<i32>} : memref<2x416xf32, #tpu.memory_space<vmem>>, vector<16xf32>,
    %get3A_105 = arith.constant 0 : i32
    %get3A_106 = arith.index_cast %get3A_105 : i32 to index
    %get3A_107 = arith.constant 128 : index
    %get3A_108 = tpu.vector_load %arg7[%get3A_106, %get3A_107] {strides = array<i32>} : memref<2x416xf32, #tpu.memory_space<vmem>>, vector<16xf32>,
    %mul3A_109 = arith.constant 8.000000e+00 : f32
    %mul3A_110 = vector.broadcast %mul3A_109 : f32 to vector<16xf32>
    %mul3A_111 = arith.mulf %get3A_108, %mul3A_110 : vector<16xf32>
    %swap3A_112 = arith.constant 0 : i32
    %swap3A_113 = arith.index_cast %swap3A_112 : i32 to index
    %swap3A_114 = arith.constant 128 : index
    %swap3A_115 = tpu.vector_load %arg7[%swap3A_113, %swap3A_114] {strides = array<i32>} : memref<2x416xf32, #tpu.memory_space<vmem>>, vector<16xf32>,
    tpu.vector_store %arg7[%swap3A_113, %swap3A_114], %mul3A_111 {strides = array<i32>} : memref<2x416xf32, #tpu.memory_space<vmem>>, vector<16xf32>,
    %get3A_116 = arith.constant 0 : i32
    %get3A_117 = arith.index_cast %get3A_116 : i32 to index
    %get3A_118 = arith.constant 144 : index
    %get3A_119 = tpu.vector_load %arg7[%get3A_117, %get3A_118] {strides = array<i32>} : memref<2x416xf32, #tpu.memory_space<vmem>>, vector<16xf32>,
    %mul3A_120 = arith.constant 8.000000e+00 : f32
    %mul3A_121 = vector.broadcast %mul3A_120 : f32 to vector<16xf32>
    %mul3A_122 = arith.mulf %get3A_119, %mul3A_121 : vector<16xf32>
    %swap3A_123 = arith.constant 0 : i32
    %swap3A_124 = arith.index_cast %swap3A_123 : i32 to index
    %swap3A_125 = arith.constant 144 : index
    %swap3A_126 = tpu.vector_load %arg7[%swap3A_124, %swap3A_125] {strides = array<i32>} : memref<2x416xf32, #tpu.memory_space<vmem>>, vector<16xf32>,
    tpu.vector_store %arg7[%swap3A_124, %swap3A_125], %mul3A_122 {strides = array<i32>} : memref<2x416xf32, #tpu.memory_space<vmem>>, vector<16xf32>,
    %get3A_127 = arith.constant 0 : i32
    %get3A_128 = arith.index_cast %get3A_127 : i32 to index
    %get3A_129 = arith.constant 160 : index
    %get3A_130 = tpu.vector_load %arg7[%get3A_128, %get3A_129] {strides = array<i32>} : memref<2x416xf32, #tpu.memory_space<vmem>>, vector<16xf32>,
    %mul3A_131 = arith.constant 8.000000e+00 : f32
    %mul3A_132 = vector.broadcast %mul3A_131 : f32 to vector<16xf32>
    %mul3A_133 = arith.mulf %get3A_130, %mul3A_132 : vector<16xf32>
    %swap3A_134 = arith.constant 0 : i32
    %swap3A_135 = arith.index_cast %swap3A_134 : i32 to index
    %swap3A_136 = arith.constant 160 : index
    %swap3A_137 = tpu.vector_load %arg7[%swap3A_135, %swap3A_136] {strides = array<i32>} : memref<2x416xf32, #tpu.memory_space<vmem>>, vector<16xf32>,
    tpu.vector_store %arg7[%swap3A_135, %swap3A_136], %mul3A_133 {strides = array<i32>} : memref<2x416xf32, #tpu.memory_space<vmem>>, vector<16xf32>,
    %get3A_138 = arith.constant 0 : i32
    %get3A_139 = arith.index_cast %get3A_138 : i32 to index
    %get3A_140 = arith.constant 176 : index
    %get3A_141 = tpu.vector_load %arg7[%get3A_139, %get3A_140] {strides = array<i32>} : memref<2x416xf32, #tpu.memory_space<vmem>>, vector<16xf32>,
    %mul3A_142 = arith.constant 8.000000e+00 : f32
    %mul3A_143 = vector.broadcast %mul3A_142 : f32 to vector<16xf32>
    %mul3A_144 = arith.mulf %get3A_141, %mul3A_143 : vector<16xf32>
    %swap3A_145 = arith.constant 0 : i32
    %swap3A_146 = arith.index_cast %swap3A_145 : i32 to index
    %swap3A_147 = arith.constant 176 : index
    %swap3A_148 = tpu.vector_load %arg7[%swap3A_146, %swap3A_147] {strides = array<i32>} : memref<2x416xf32, #tpu.memory_space<vmem>>, vector<16xf32>,
    tpu.vector_store %arg7[%swap3A_146, %swap3A_147], %mul3A_144 {strides = array<i32>} : memref<2x416xf32, #tpu.memory_space<vmem>>, vector<16xf32>,
    %get3A_149 = arith.constant 0 : i32
    %get3A_150 = arith.index_cast %get3A_149 : i32 to index
    %get3A_151 = arith.constant 192 : index
    %get3A_152 = tpu.vector_load %arg7[%get3A_150, %get3A_151] {strides = array<i32>} : memref<2x416xf32, #tpu.memory_space<vmem>>, vector<16xf32>,
    %mul3A_153 = arith.constant 8.000000e+00 : f32
    %mul3A_154 = vector.broadcast %mul3A_153 : f32 to vector<16xf32>
    %mul3A_155 = arith.mulf %get3A_152, %mul3A_154 : vector<16xf32>
    %swap3A_156 = arith.constant 0 : i32
    %swap3A_157 = arith.index_cast %swap3A_156 : i32 to index
    %swap3A_158 = arith.constant 192 : index
    %swap3A_159 = tpu.vector_load %arg7[%swap3A_157, %swap3A_158] {strides = array<i32>} : memref<2x416xf32, #tpu.memory_space<vmem>>, vector<16xf32>,
    tpu.vector_store %arg7[%swap3A_157, %swap3A_158], %mul3A_155 {strides = array<i32>} : memref<2x416xf32, #tpu.memory_space<vmem>>, vector<16xf32>,
    %get3A_160 = arith.constant 0 : i32
    %get3A_161 = arith.index_cast %get3A_160 : i32 to index
    %get3A_162 = arith.constant 208 : index
    %get3A_163 = tpu.vector_load %arg7[%get3A_161, %get3A_162] {strides = array<i32>} : memref<2x416xf32, #tpu.memory_space<vmem>>, vector<16xf32>,
    %mul3A_164 = arith.constant 8.000000e+00 : f32
    %mul3A_165 = vector.broadcast %mul3A_164 : f32 to vector<16xf32>
    %mul3A_166 = arith.mulf %get3A_163, %mul3A_165 : vector<16xf32>
    %swap3A_167 = arith.constant 0 : i32
    %swap3A_168 = arith.index_cast %swap3A_167 : i32 to index
    %swap3A_169 = arith.constant 208 : index
    %swap3A_170 = tpu.vector_load %arg7[%swap3A_168, %swap3A_169] {strides = array<i32>} : memref<2x416xf32, #tpu.memory_space<vmem>>, vector<16xf32>,
    tpu.vector_store %arg7[%swap3A_168, %swap3A_169], %mul3A_166 {strides = array<i32>} : memref<2x416xf32, #tpu.memory_space<vmem>>, vector<16xf32>,
    %get3A_171 = arith.constant 0 : i32
    %get3A_172 = arith.index_cast %get3A_171 : i32 to index
    %get3A_173 = arith.constant 224 : index
    %get3A_174 = tpu.vector_load %arg7[%get3A_172, %get3A_173] {strides = array<i32>} : memref<2x416xf32, #tpu.memory_space<vmem>>, vector<16xf32>,
    %mul3A_175 = arith.constant 8.000000e+00 : f32
    %mul3A_176 = vector.broadcast %mul3A_175 : f32 to vector<16xf32>
    %mul3A_177 = arith.mulf %get3A_174, %mul3A_176 : vector<16xf32>
    %swap3A_178 = arith.constant 0 : i32
    %swap3A_179 = arith.index_cast %swap3A_178 : i32 to index
    %swap3A_180 = arith.constant 224 : index
    %swap3A_181 = tpu.vector_load %arg7[%swap3A_179, %swap3A_180] {strides = array<i32>} : memref<2x416xf32, #tpu.memory_space<vmem>>, vector<16xf32>,
    tpu.vector_store %arg7[%swap3A_179, %swap3A_180], %mul3A_177 {strides = array<i32>} : memref<2x416xf32, #tpu.memory_space<vmem>>, vector<16xf32>,
    %get3A_182 = arith.constant 0 : i32
    %get3A_183 = arith.index_cast %get3A_182 : i32 to index
    %get3A_184 = arith.constant 240 : index
    %get3A_185 = tpu.vector_load %arg7[%get3A_183, %get3A_184] {strides = array<i32>} : memref<2x416xf32, #tpu.memory_space<vmem>>, vector<16xf32>,
    %mul3A_186 = arith.constant 8.000000e+00 : f32
    %mul3A_187 = vector.broadcast %mul3A_186 : f32 to vector<16xf32>
    %mul3A_188 = arith.mulf %get3A_185, %mul3A_187 : vector<16xf32>
    %swap3A_189 = arith.constant 0 : i32
    %swap3A_190 = arith.index_cast %swap3A_189 : i32 to index
    %swap3A_191 = arith.constant 240 : index
    %swap3A_192 = tpu.vector_load %arg7[%swap3A_190, %swap3A_191] {strides = array<i32>} : memref<2x416xf32, #tpu.memory_space<vmem>>, vector<16xf32>,
    tpu.vector_store %arg7[%swap3A_190, %swap3A_191], %mul3A_188 {strides = array<i32>} : memref<2x416xf32, #tpu.memory_space<vmem>>, vector<16xf32>,
    %get3A_193 = arith.constant 0 : i32
    %get3A_194 = arith.index_cast %get3A_193 : i32 to index
    %get3A_195 = arith.constant 256 : index
    %get3A_196 = tpu.vector_load %arg7[%get3A_194, %get3A_195] {strides = array<i32>} : memref<2x416xf32, #tpu.memory_space<vmem>>, vector<16xf32>,
    %mul3A_197 = arith.constant 8.000000e+00 : f32
    %mul3A_198 = vector.broadcast %mul3A_197 : f32 to vector<16xf32>
    %mul3A_199 = arith.mulf %get3A_196, %mul3A_198 : vector<16xf32>
    %swap3A_200 = arith.constant 0 : i32
    %swap3A_201 = arith.index_cast %swap3A_200 : i32 to index
    %swap3A_202 = arith.constant 256 : index
    %swap3A_203 = tpu.vector_load %arg7[%swap3A_201, %swap3A_202] {strides = array<i32>} : memref<2x416xf32, #tpu.memory_space<vmem>>, vector<16xf32>,
    tpu.vector_store %arg7[%swap3A_201, %swap3A_202], %mul3A_199 {strides = array<i32>} : memref<2x416xf32, #tpu.memory_space<vmem>>, vector<16xf32>,
    %get3A_204 = arith.constant 0 : i32
    %get3A_205 = arith.index_cast %get3A_204 : i32 to index
    %get3A_206 = arith.constant 272 : index
    %get3A_207 = tpu.vector_load %arg7[%get3A_205, %get3A_206] {strides = array<i32>} : memref<2x416xf32, #tpu.memory_space<vmem>>, vector<16xf32>,
    %mul3A_208 = arith.constant 8.000000e+00 : f32
    %mul3A_209 = vector.broadcast %mul3A_208 : f32 to vector<16xf32>
    %mul3A_210 = arith.mulf %get3A_207, %mul3A_209 : vector<16xf32>
    %swap3A_211 = arith.constant 0 : i32
    %swap3A_212 = arith.index_cast %swap3A_211 : i32 to index
    %swap3A_213 = arith.constant 272 : index
    %swap3A_214 = tpu.vector_load %arg7[%swap3A_212, %swap3A_213] {strides = array<i32>} : memref<2x416xf32, #tpu.memory_space<vmem>>, vector<16xf32>,
    tpu.vector_store %arg7[%swap3A_212, %swap3A_213], %mul3A_210 {strides = array<i32>} : memref<2x416xf32, #tpu.memory_space<vmem>>, vector<16xf32>,
    %get3A_215 = arith.constant 0 : i32
    %get3A_216 = arith.index_cast %get3A_215 : i32 to index
    %get3A_217 = arith.constant 288 : index
    %get3A_218 = tpu.vector_load %arg7[%get3A_216, %get3A_217] {strides = array<i32>} : memref<2x416xf32, #tpu.memory_space<vmem>>, vector<16xf32>,
    %mul3A_219 = arith.constant 8.000000e+00 : f32
    %mul3A_220 = vector.broadcast %mul3A_219 : f32 to vector<16xf32>
    %mul3A_221 = arith.mulf %get3A_218, %mul3A_220 : vector<16xf32>
    %swap3A_222 = arith.constant 0 : i32
    %swap3A_223 = arith.index_cast %swap3A_222 : i32 to index
    %swap3A_224 = arith.constant 288 : index
    %swap3A_225 = tpu.vector_load %arg7[%swap3A_223, %swap3A_224] {strides = array<i32>} : memref<2x416xf32, #tpu.memory_space<vmem>>, vector<16xf32>,
    tpu.vector_store %arg7[%swap3A_223, %swap3A_224], %mul3A_221 {strides = array<i32>} : memref<2x416xf32, #tpu.memory_space<vmem>>, vector<16xf32>,
    %get3A_226 = arith.constant 0 : i32
    %get3A_227 = arith.index_cast %get3A_226 : i32 to index
    %get3A_228 = arith.constant 304 : index
    %get3A_229 = tpu.vector_load %arg7[%get3A_227, %get3A_228] {strides = array<i32>} : memref<2x416xf32, #tpu.memory_space<vmem>>, vector<16xf32>,
    %mul3A_230 = arith.constant 8.000000e+00 : f32
    %mul3A_231 = vector.broadcast %mul3A_230 : f32 to vector<16xf32>
    %mul3A_232 = arith.mulf %get3A_229, %mul3A_231 : vector<16xf32>
    %swap3A_233 = arith.constant 0 : i32
    %swap3A_234 = arith.index_cast %swap3A_233 : i32 to index
    %swap3A_235 = arith.constant 304 : index
    %swap3A_236 = tpu.vector_load %arg7[%swap3A_234, %swap3A_235] {strides = array<i32>} : memref<2x416xf32, #tpu.memory_space<vmem>>, vector<16xf32>,
    tpu.vector_store %arg7[%swap3A_234, %swap3A_235], %mul3A_232 {strides = array<i32>} : memref<2x416xf32, #tpu.memory_space<vmem>>, vector<16xf32>,
    %get3A_237 = arith.constant 0 : i32
    %get3A_238 = arith.index_cast %get3A_237 : i32 to index
    %get3A_239 = arith.constant 320 : index
    %get3A_240 = tpu.vector_load %arg7[%get3A_238, %get3A_239] {strides = array<i32>} : memref<2x416xf32, #tpu.memory_space<vmem>>, vector<16xf32>,
    %mul3A_241 = arith.constant 8.000000e+00 : f32
    %mul3A_242 = vector.broadcast %mul3A_241 : f32 to vector<16xf32>
    %mul3A_243 = arith.mulf %get3A_240, %mul3A_242 : vector<16xf32>
    %swap3A_244 = arith.constant 0 : i32
    %swap3A_245 = arith.index_cast %swap3A_244 : i32 to index
    %swap3A_246 = arith.constant 320 : index
    %swap3A_247 = tpu.vector_load %arg7[%swap3A_245, %swap3A_246] {strides = array<i32>} : memref<2x416xf32, #tpu.memory_space<vmem>>, vector<16xf32>,
    tpu.vector_store %arg7[%swap3A_245, %swap3A_246], %mul3A_243 {strides = array<i32>} : memref<2x416xf32, #tpu.memory_space<vmem>>, vector<16xf32>,
    %get3A_248 = arith.constant 0 : i32
    %get3A_249 = arith.index_cast %get3A_248 : i32 to index
    %get3A_250 = arith.constant 336 : index
    %get3A_251 = tpu.vector_load %arg7[%get3A_249, %get3A_250] {strides = array<i32>} : memref<2x416xf32, #tpu.memory_space<vmem>>, vector<16xf32>,
    %mul3A_252 = arith.constant 8.000000e+00 : f32
    %mul3A_253 = vector.broadcast %mul3A_252 : f32 to vector<16xf32>
    %mul3A_254 = arith.mulf %get3A_251, %mul3A_253 : vector<16xf32>
    %swap3A_255 = arith.constant 0 : i32
    %swap3A_256 = arith.index_cast %swap3A_255 : i32 to index
    %swap3A_257 = arith.constant 336 : index
    %swap3A_258 = tpu.vector_load %arg7[%swap3A_256, %swap3A_257] {strides = array<i32>} : memref<2x416xf32, #tpu.memory_space<vmem>>, vector<16xf32>,
    tpu.vector_store %arg7[%swap3A_256, %swap3A_257], %mul3A_254 {strides = array<i32>} : memref<2x416xf32, #tpu.memory_space<vmem>>, vector<16xf32>,
    %get3A_259 = arith.constant 0 : i32
    %get3A_260 = arith.index_cast %get3A_259 : i32 to index
    %get3A_261 = arith.constant 352 : index
    %get3A_262 = tpu.vector_load %arg7[%get3A_260, %get3A_261] {strides = array<i32>} : memref<2x416xf32, #tpu.memory_space<vmem>>, vector<16xf32>,
    %mul3A_263 = arith.constant 8.000000e+00 : f32
    %mul3A_264 = vector.broadcast %mul3A_263 : f32 to vector<16xf32>
    %mul3A_265 = arith.mulf %get3A_262, %mul3A_264 : vector<16xf32>
    %swap3A_266 = arith.constant 0 : i32
    %swap3A_267 = arith.index_cast %swap3A_266 : i32 to index
    %swap3A_268 = arith.constant 352 : index
    %swap3A_269 = tpu.vector_load %arg7[%swap3A_267, %swap3A_268] {strides = array<i32>} : memref<2x416xf32, #tpu.memory_space<vmem>>, vector<16xf32>,
    tpu.vector_store %arg7[%swap3A_267, %swap3A_268], %mul3A_265 {strides = array<i32>} : memref<2x416xf32, #tpu.memory_space<vmem>>, vector<16xf32>,
    %get3A_270 = arith.constant 0 : i32
    %get3A_271 = arith.index_cast %get3A_270 : i32 to index
    %get3A_272 = arith.constant 368 : index
    %get3A_273 = tpu.vector_load %arg7[%get3A_271, %get3A_272] {strides = array<i32>} : memref<2x416xf32, #tpu.memory_space<vmem>>, vector<16xf32>,
    %mul3A_274 = arith.constant 8.000000e+00 : f32
    %mul3A_275 = vector.broadcast %mul3A_274 : f32 to vector<16xf32>
    %mul3A_276 = arith.mulf %get3A_273, %mul3A_275 : vector<16xf32>
    %swap3A_277 = arith.constant 0 : i32
    %swap3A_278 = arith.index_cast %swap3A_277 : i32 to index
    %swap3A_279 = arith.constant 368 : index
    %swap3A_280 = tpu.vector_load %arg7[%swap3A_278, %swap3A_279] {strides = array<i32>} : memref<2x416xf32, #tpu.memory_space<vmem>>, vector<16xf32>,
    tpu.vector_store %arg7[%swap3A_278, %swap3A_279], %mul3A_276 {strides = array<i32>} : memref<2x416xf32, #tpu.memory_space<vmem>>, vector<16xf32>,
    %get3A_281 = arith.constant 0 : i32
    %get3A_282 = arith.index_cast %get3A_281 : i32 to index
    %get3A_283 = arith.constant 384 : index
    %get3A_284 = tpu.vector_load %arg7[%get3A_282, %get3A_283] {strides = array<i32>} : memref<2x416xf32, #tpu.memory_space<vmem>>, vector<16xf32>,
    %mul3A_285 = arith.constant 8.000000e+00 : f32
    %mul3A_286 = vector.broadcast %mul3A_285 : f32 to vector<16xf32>
    %mul3A_287 = arith.mulf %get3A_284, %mul3A_286 : vector<16xf32>
    %swap3A_288 = arith.constant 0 : i32
    %swap3A_289 = arith.index_cast %swap3A_288 : i32 to index
    %swap3A_290 = arith.constant 384 : index
    %swap3A_291 = tpu.vector_load %arg7[%swap3A_289, %swap3A_290] {strides = array<i32>} : memref<2x416xf32, #tpu.memory_space<vmem>>, vector<16xf32>,
    tpu.vector_store %arg7[%swap3A_289, %swap3A_290], %mul3A_287 {strides = array<i32>} : memref<2x416xf32, #tpu.memory_space<vmem>>, vector<16xf32>,
    %scan3A = arith.constant 0 : i32
    %scan3A_292 = arith.constant 0 : i32
    %scan3A_293 = arith.constant 32 : i32
    %scan3A_294 = arith.addi %scan3A_292, %scan3A_293 : i32
    %scan3A_295 = arith.constant 1 : i32
    scf.for %scan3A_338 = %scan3A_292 to %scan3A_294 step %scan3A_295  : i32 {
      %mul3A_339 = arith.constant 2 : i32
      %mul3A_340 = arith.muli %mul3A_339, %scan3A_338 : i32
      %add3A_341 = arith.constant 0 : i32
      %add3A_342 = arith.addi %mul3A_340, %add3A_341 : i32
      %add3A_343 = arith.constant 1 : i32
      %add3A_344 = arith.addi %add3A_342, %add3A_343 : i32
      %lt3A = arith.constant 64 : i32
      %lt3A_345 = arith.cmpi slt, %add3A_344, %lt3A : i32
      %convert_element_type3A = arith.extui %lt3A_345 : i1 to i32
      %cond3A = arith.constant 0 : i32
      %cond3A_346 = arith.cmpi ne, %convert_element_type3A, %cond3A : i32
      scf.if %cond3A_346 {
        %add3A_459 = arith.constant 1 : i32
        %add3A_460 = arith.addi %add3A_342, %add3A_459 : i32
        %mul3A_461 = arith.constant 128 : i32
        %mul3A_462 = arith.muli %add3A, %mul3A_461 : i32
        %mul3A_463 = arith.constant 2 : i32
        %mul3A_464 = arith.muli %add3A_460, %mul3A_463 : i32
        %add3A_465 = arith.addi %mul3A_462, %mul3A_464 : i32
        %mul3A_466 = arith.constant 200 : i32
        %mul3A_467 = arith.muli %add3A_465, %mul3A_466 : i32
        %run_scoped3A_468 = arith.constant 1 : i32
        "tpu.region"() ({
          %run_scoped3A_757 = tpu.sem_alloc : memref<!tpu.dma_semaphore, #tpu.memory_space<semaphore_mem>>
          %dma_start3A_758 = arith.constant 0 : i32
          %dma_start3A_759 = tpu.memref_slice %arg6[%run_scoped3A_468, %dma_start3A_758] : memref<2x400xi32, #tpu.memory_space<vmem>> -> memref<1x400xi32, #tpu.memory_space<vmem>>
          %dma_start3A_760 = tpu.memref_squeeze %dma_start3A_759 : memref<1x400xi32, #tpu.memory_space<vmem>> -> memref<400xi32, #tpu.memory_space<vmem>>
          %dma_start3A_761 = tpu.memref_slice %arg3[%mul3A_467] : memref<819200xi32, #tpu.memory_space<hbm>> -> memref<400xi32, #tpu.memory_space<hbm>>
          %dma_start3A_762 = arith.constant 0 : i32
          %dma_start3A_763 = tpu.memref_slice %arg6[%run_scoped3A_468, %dma_start3A_762] : memref<2x400xi32, #tpu.memory_space<vmem>> -> memref<1x400xi32, #tpu.memory_space<vmem>>
          %dma_start3A_764 = tpu.memref_squeeze %dma_start3A_763 : memref<1x400xi32, #tpu.memory_space<vmem>> -> memref<400xi32, #tpu.memory_space<vmem>>
          %dma_start3A_765 = tpu.memref_slice %arg3[%mul3A_467] : memref<819200xi32, #tpu.memory_space<hbm>> -> memref<400xi32, #tpu.memory_space<hbm>>
          tpu.enqueue_dma source(%dma_start3A_765 : memref<400xi32, #tpu.memory_space<hbm>>) target(%dma_start3A_764 : memref<400xi32, #tpu.memory_space<vmem>>) target_semaphore(%run_scoped3A_757 : memref<!tpu.dma_semaphore, #tpu.memory_space<semaphore_mem>>)
          %dma_wait3A_766 = arith.constant 0 : i32
          %dma_wait3A_767 = tpu.memref_slice %arg6[%run_scoped3A_468, %dma_wait3A_766] : memref<2x400xi32, #tpu.memory_space<vmem>> -> memref<1x400xi32, #tpu.memory_space<vmem>>
          %dma_wait3A_768 = tpu.memref_squeeze %dma_wait3A_767 : memref<1x400xi32, #tpu.memory_space<vmem>> -> memref<400xi32, #tpu.memory_space<vmem>>
          %dma_wait3A_769 = tpu.memref_slice %arg3[%mul3A_467] : memref<819200xi32, #tpu.memory_space<hbm>> -> memref<400xi32, #tpu.memory_space<hbm>>
          %dma_wait3A_770 = arith.constant 0 : i32
          %dma_wait3A_771 = tpu.memref_slice %arg6[%run_scoped3A_468, %dma_wait3A_770] : memref<2x400xi32, #tpu.memory_space<vmem>> -> memref<1x400xi32, #tpu.memory_space<vmem>>
          %dma_wait3A_772 = tpu.memref_squeeze %dma_wait3A_771 : memref<1x400xi32, #tpu.memory_space<vmem>> -> memref<400xi32, #tpu.memory_space<vmem>>
          %dma_wait3A_773 = tpu.memref_slice %arg3[%mul3A_467] : memref<819200xi32, #tpu.memory_space<hbm>> -> memref<400xi32, #tpu.memory_space<hbm>>
          tpu.wait_dma2 semaphore(%run_scoped3A_757 : memref<!tpu.dma_semaphore, #tpu.memory_space<semaphore_mem>>) src(%dma_wait3A_773 : memref<400xi32, #tpu.memory_space<hbm>>) dst(%dma_wait3A_772 : memref<400xi32, #tpu.memory_space<vmem>>)
          tpu.yield
        }) : () -> ()
        %run_scoped3A_469 = arith.constant 1 : i32
        "tpu.region"() ({
          %run_scoped3A_757 = tpu.sem_alloc : memref<!tpu.dma_semaphore, #tpu.memory_space<semaphore_mem>>
          %dma_start3A_758 = arith.constant 0 : i32
          %dma_start3A_759 = tpu.memref_slice %arg7[%run_scoped3A_469, %dma_start3A_758] : memref<2x416xf32, #tpu.memory_space<vmem>> -> memref<1x400xf32, #tpu.memory_space<vmem>>
          %dma_start3A_760 = tpu.memref_squeeze %dma_start3A_759 : memref<1x400xf32, #tpu.memory_space<vmem>> -> memref<400xf32, #tpu.memory_space<vmem>>
          %dma_start3A_761 = tpu.memref_slice %arg4[%mul3A_467] : memref<819200xf32, #tpu.memory_space<hbm>> -> memref<400xf32, #tpu.memory_space<hbm>>
          %dma_start3A_762 = arith.constant 0 : i32
          %dma_start3A_763 = tpu.memref_slice %arg7[%run_scoped3A_469, %dma_start3A_762] : memref<2x416xf32, #tpu.memory_space<vmem>> -> memref<1x400xf32, #tpu.memory_space<vmem>>
          %dma_start3A_764 = tpu.memref_squeeze %dma_start3A_763 : memref<1x400xf32, #tpu.memory_space<vmem>> -> memref<400xf32, #tpu.memory_space<vmem>>
          %dma_start3A_765 = tpu.memref_slice %arg4[%mul3A_467] : memref<819200xf32, #tpu.memory_space<hbm>> -> memref<400xf32, #tpu.memory_space<hbm>>
          tpu.enqueue_dma source(%dma_start3A_765 : memref<400xf32, #tpu.memory_space<hbm>>) target(%dma_start3A_764 : memref<400xf32, #tpu.memory_space<vmem>>) target_semaphore(%run_scoped3A_757 : memref<!tpu.dma_semaphore, #tpu.memory_space<semaphore_mem>>)
          %dma_wait3A_766 = arith.constant 0 : i32
          %dma_wait3A_767 = tpu.memref_slice %arg7[%run_scoped3A_469, %dma_wait3A_766] : memref<2x416xf32, #tpu.memory_space<vmem>> -> memref<1x400xf32, #tpu.memory_space<vmem>>
          %dma_wait3A_768 = tpu.memref_squeeze %dma_wait3A_767 : memref<1x400xf32, #tpu.memory_space<vmem>> -> memref<400xf32, #tpu.memory_space<vmem>>
          %dma_wait3A_769 = tpu.memref_slice %arg4[%mul3A_467] : memref<819200xf32, #tpu.memory_space<hbm>> -> memref<400xf32, #tpu.memory_space<hbm>>
          %dma_wait3A_770 = arith.constant 0 : i32
          %dma_wait3A_771 = tpu.memref_slice %arg7[%run_scoped3A_469, %dma_wait3A_770] : memref<2x416xf32, #tpu.memory_space<vmem>> -> memref<1x400xf32, #tpu.memory_space<vmem>>
          %dma_wait3A_772 = tpu.memref_squeeze %dma_wait3A_771 : memref<1x400xf32, #tpu.memory_space<vmem>> -> memref<400xf32, #tpu.memory_space<vmem>>
          %dma_wait3A_773 = tpu.memref_slice %arg4[%mul3A_467] : memref<819200xf32, #tpu.memory_space<hbm>> -> memref<400xf32, #tpu.memory_space<hbm>>
          tpu.wait_dma2 semaphore(%run_scoped3A_757 : memref<!tpu.dma_semaphore, #tpu.memory_space<semaphore_mem>>) src(%dma_wait3A_773 : memref<400xf32, #tpu.memory_space<hbm>>) dst(%dma_wait3A_772 : memref<400xf32, #tpu.memory_space<vmem>>)
          tpu.yield
        }) : () -> ()
        %dma_start3A_470 = arith.constant 1 : i32
        %dma_start3A_471 = arith.constant 1 : i32
        %dma_start3A_472 = arith.constant 0 : i32
        %dma_start3A_473 = arith.constant 0 : i32
        %dma_start3A_474 = tpu.memref_slice %arg8[%dma_start3A_471, %dma_start3A_472, %dma_start3A_473] : memref<2x400x64xf32, #tpu.memory_space<vmem>> -> memref<1x400x64xf32, #tpu.memory_space<vmem>>
        %dma_start3A_475 = tpu.memref_squeeze %dma_start3A_474 : memref<1x400x64xf32, #tpu.memory_space<vmem>> -> memref<400x64xf32, #tpu.memory_space<vmem>>
        %dma_start3A_476 = arith.constant 0 : i32
        %dma_start3A_477 = tpu.memref_slice %arg6[%dma_start3A_470, %dma_start3A_476] : memref<2x400xi32, #tpu.memory_space<vmem>> -> memref<1x400xi32, #tpu.memory_space<vmem>>
        %dma_start3A_478 = tpu.memref_squeeze %dma_start3A_477 : memref<1x400xi32, #tpu.memory_space<vmem>> -> memref<400xi32, #tpu.memory_space<vmem>>
        %dma_start3A_479 = arith.constant 0 : i32
        %dma_start3A_480 = arith.constant 0 : i32
        %dma_start3A_481 = tpu.memref_slice %arg2[%dma_start3A_479, %dma_start3A_480] : memref<100000x64xf32, #tpu.memory_space<hbm>> -> memref<100000x64xf32, #tpu.memory_space<hbm>>
        tpu.enqueue_indirect_dma source(%dma_start3A_481 : memref<100000x64xf32, #tpu.memory_space<hbm>>) target(%dma_start3A_475 : memref<400x64xf32, #tpu.memory_space<vmem>>) offsets(%dma_start3A_478 : memref<400xi32, #tpu.memory_space<vmem>>) semaphore(%arg11 : memref<!tpu.dma_semaphore, #tpu.memory_space<semaphore_mem>>)
        %get3A_482 = arith.constant 1 : i32
        %get3A_483 = arith.index_cast %get3A_482 : i32 to index
        %get3A_484 = arith.constant 0 : index
        %get3A_485 = tpu.vector_load %arg7[%get3A_483, %get3A_484] {strides = array<i32>} : memref<2x416xf32, #tpu.memory_space<vmem>>, vector<16xf32>,
        %mul3A_486 = arith.constant 8.000000e+00 : f32
        %mul3A_487 = vector.broadcast %mul3A_486 : f32 to vector<16xf32>
        %mul3A_488 = arith.mulf %get3A_485, %mul3A_487 : vector<16xf32>
        %swap3A_489 = arith.constant 1 : i32
        %swap3A_490 = arith.index_cast %swap3A_489 : i32 to index
        %swap3A_491 = arith.constant 0 : index
        %swap3A_492 = tpu.vector_load %arg7[%swap3A_490, %swap3A_491] {strides = array<i32>} : memref<2x416xf32, #tpu.memory_space<vmem>>, vector<16xf32>,
        tpu.vector_store %arg7[%swap3A_490, %swap3A_491], %mul3A_488 {strides = array<i32>} : memref<2x416xf32, #tpu.memory_space<vmem>>, vector<16xf32>,
        %get3A_493 = arith.constant 1 : i32
        %get3A_494 = arith.index_cast %get3A_493 : i32 to index
        %get3A_495 = arith.constant 16 : index
        %get3A_496 = tpu.vector_load %arg7[%get3A_494, %get3A_495] {strides = array<i32>} : memref<2x416xf32, #tpu.memory_space<vmem>>, vector<16xf32>,
        %mul3A_497 = arith.constant 8.000000e+00 : f32
        %mul3A_498 = vector.broadcast %mul3A_497 : f32 to vector<16xf32>
        %mul3A_499 = arith.mulf %get3A_496, %mul3A_498 : vector<16xf32>
        %swap3A_500 = arith.constant 1 : i32
        %swap3A_501 = arith.index_cast %swap3A_500 : i32 to index
        %swap3A_502 = arith.constant 16 : index
        %swap3A_503 = tpu.vector_load %arg7[%swap3A_501, %swap3A_502] {strides = array<i32>} : memref<2x416xf32, #tpu.memory_space<vmem>>, vector<16xf32>,
        tpu.vector_store %arg7[%swap3A_501, %swap3A_502], %mul3A_499 {strides = array<i32>} : memref<2x416xf32, #tpu.memory_space<vmem>>, vector<16xf32>,
        %get3A_504 = arith.constant 1 : i32
        %get3A_505 = arith.index_cast %get3A_504 : i32 to index
        %get3A_506 = arith.constant 32 : index
        %get3A_507 = tpu.vector_load %arg7[%get3A_505, %get3A_506] {strides = array<i32>} : memref<2x416xf32, #tpu.memory_space<vmem>>, vector<16xf32>,
        %mul3A_508 = arith.constant 8.000000e+00 : f32
        %mul3A_509 = vector.broadcast %mul3A_508 : f32 to vector<16xf32>
        %mul3A_510 = arith.mulf %get3A_507, %mul3A_509 : vector<16xf32>
        %swap3A_511 = arith.constant 1 : i32
        %swap3A_512 = arith.index_cast %swap3A_511 : i32 to index
        %swap3A_513 = arith.constant 32 : index
        %swap3A_514 = tpu.vector_load %arg7[%swap3A_512, %swap3A_513] {strides = array<i32>} : memref<2x416xf32, #tpu.memory_space<vmem>>, vector<16xf32>,
        tpu.vector_store %arg7[%swap3A_512, %swap3A_513], %mul3A_510 {strides = array<i32>} : memref<2x416xf32, #tpu.memory_space<vmem>>, vector<16xf32>,
        %get3A_515 = arith.constant 1 : i32
        %get3A_516 = arith.index_cast %get3A_515 : i32 to index
        %get3A_517 = arith.constant 48 : index
        %get3A_518 = tpu.vector_load %arg7[%get3A_516, %get3A_517] {strides = array<i32>} : memref<2x416xf32, #tpu.memory_space<vmem>>, vector<16xf32>,
        %mul3A_519 = arith.constant 8.000000e+00 : f32
        %mul3A_520 = vector.broadcast %mul3A_519 : f32 to vector<16xf32>
        %mul3A_521 = arith.mulf %get3A_518, %mul3A_520 : vector<16xf32>
        %swap3A_522 = arith.constant 1 : i32
        %swap3A_523 = arith.index_cast %swap3A_522 : i32 to index
        %swap3A_524 = arith.constant 48 : index
        %swap3A_525 = tpu.vector_load %arg7[%swap3A_523, %swap3A_524] {strides = array<i32>} : memref<2x416xf32, #tpu.memory_space<vmem>>, vector<16xf32>,
        tpu.vector_store %arg7[%swap3A_523, %swap3A_524], %mul3A_521 {strides = array<i32>} : memref<2x416xf32, #tpu.memory_space<vmem>>, vector<16xf32>,
        %get3A_526 = arith.constant 1 : i32
        %get3A_527 = arith.index_cast %get3A_526 : i32 to index
        %get3A_528 = arith.constant 64 : index
        %get3A_529 = tpu.vector_load %arg7[%get3A_527, %get3A_528] {strides = array<i32>} : memref<2x416xf32, #tpu.memory_space<vmem>>, vector<16xf32>,
        %mul3A_530 = arith.constant 8.000000e+00 : f32
        %mul3A_531 = vector.broadcast %mul3A_530 : f32 to vector<16xf32>
        %mul3A_532 = arith.mulf %get3A_529, %mul3A_531 : vector<16xf32>
        %swap3A_533 = arith.constant 1 : i32
        %swap3A_534 = arith.index_cast %swap3A_533 : i32 to index
        %swap3A_535 = arith.constant 64 : index
        %swap3A_536 = tpu.vector_load %arg7[%swap3A_534, %swap3A_535] {strides = array<i32>} : memref<2x416xf32, #tpu.memory_space<vmem>>, vector<16xf32>,
        tpu.vector_store %arg7[%swap3A_534, %swap3A_535], %mul3A_532 {strides = array<i32>} : memref<2x416xf32, #tpu.memory_space<vmem>>, vector<16xf32>,
        %get3A_537 = arith.constant 1 : i32
        %get3A_538 = arith.index_cast %get3A_537 : i32 to index
        %get3A_539 = arith.constant 80 : index
        %get3A_540 = tpu.vector_load %arg7[%get3A_538, %get3A_539] {strides = array<i32>} : memref<2x416xf32, #tpu.memory_space<vmem>>, vector<16xf32>,
        %mul3A_541 = arith.constant 8.000000e+00 : f32
        %mul3A_542 = vector.broadcast %mul3A_541 : f32 to vector<16xf32>
        %mul3A_543 = arith.mulf %get3A_540, %mul3A_542 : vector<16xf32>
        %swap3A_544 = arith.constant 1 : i32
        %swap3A_545 = arith.index_cast %swap3A_544 : i32 to index
        %swap3A_546 = arith.constant 80 : index
        %swap3A_547 = tpu.vector_load %arg7[%swap3A_545, %swap3A_546] {strides = array<i32>} : memref<2x416xf32, #tpu.memory_space<vmem>>, vector<16xf32>,
        tpu.vector_store %arg7[%swap3A_545, %swap3A_546], %mul3A_543 {strides = array<i32>} : memref<2x416xf32, #tpu.memory_space<vmem>>, vector<16xf32>,
        %get3A_548 = arith.constant 1 : i32
        %get3A_549 = arith.index_cast %get3A_548 : i32 to index
        %get3A_550 = arith.constant 96 : index
        %get3A_551 = tpu.vector_load %arg7[%get3A_549, %get3A_550] {strides = array<i32>} : memref<2x416xf32, #tpu.memory_space<vmem>>, vector<16xf32>,
        %mul3A_552 = arith.constant 8.000000e+00 : f32
        %mul3A_553 = vector.broadcast %mul3A_552 : f32 to vector<16xf32>
        %mul3A_554 = arith.mulf %get3A_551, %mul3A_553 : vector<16xf32>
        %swap3A_555 = arith.constant 1 : i32
        %swap3A_556 = arith.index_cast %swap3A_555 : i32 to index
        %swap3A_557 = arith.constant 96 : index
        %swap3A_558 = tpu.vector_load %arg7[%swap3A_556, %swap3A_557] {strides = array<i32>} : memref<2x416xf32, #tpu.memory_space<vmem>>, vector<16xf32>,
        tpu.vector_store %arg7[%swap3A_556, %swap3A_557], %mul3A_554 {strides = array<i32>} : memref<2x416xf32, #tpu.memory_space<vmem>>, vector<16xf32>,
        %get3A_559 = arith.constant 1 : i32
        %get3A_560 = arith.index_cast %get3A_559 : i32 to index
        %get3A_561 = arith.constant 112 : index
        %get3A_562 = tpu.vector_load %arg7[%get3A_560, %get3A_561] {strides = array<i32>} : memref<2x416xf32, #tpu.memory_space<vmem>>, vector<16xf32>,
        %mul3A_563 = arith.constant 8.000000e+00 : f32
        %mul3A_564 = vector.broadcast %mul3A_563 : f32 to vector<16xf32>
        %mul3A_565 = arith.mulf %get3A_562, %mul3A_564 : vector<16xf32>
        %swap3A_566 = arith.constant 1 : i32
        %swap3A_567 = arith.index_cast %swap3A_566 : i32 to index
        %swap3A_568 = arith.constant 112 : index
        %swap3A_569 = tpu.vector_load %arg7[%swap3A_567, %swap3A_568] {strides = array<i32>} : memref<2x416xf32, #tpu.memory_space<vmem>>, vector<16xf32>,
        tpu.vector_store %arg7[%swap3A_567, %swap3A_568], %mul3A_565 {strides = array<i32>} : memref<2x416xf32, #tpu.memory_space<vmem>>, vector<16xf32>,
        %get3A_570 = arith.constant 1 : i32
        %get3A_571 = arith.index_cast %get3A_570 : i32 to index
        %get3A_572 = arith.constant 128 : index
        %get3A_573 = tpu.vector_load %arg7[%get3A_571, %get3A_572] {strides = array<i32>} : memref<2x416xf32, #tpu.memory_space<vmem>>, vector<16xf32>,
        %mul3A_574 = arith.constant 8.000000e+00 : f32
        %mul3A_575 = vector.broadcast %mul3A_574 : f32 to vector<16xf32>
        %mul3A_576 = arith.mulf %get3A_573, %mul3A_575 : vector<16xf32>
        %swap3A_577 = arith.constant 1 : i32
        %swap3A_578 = arith.index_cast %swap3A_577 : i32 to index
        %swap3A_579 = arith.constant 128 : index
        %swap3A_580 = tpu.vector_load %arg7[%swap3A_578, %swap3A_579] {strides = array<i32>} : memref<2x416xf32, #tpu.memory_space<vmem>>, vector<16xf32>,
        tpu.vector_store %arg7[%swap3A_578, %swap3A_579], %mul3A_576 {strides = array<i32>} : memref<2x416xf32, #tpu.memory_space<vmem>>, vector<16xf32>,
        %get3A_581 = arith.constant 1 : i32
        %get3A_582 = arith.index_cast %get3A_581 : i32 to index
        %get3A_583 = arith.constant 144 : index
        %get3A_584 = tpu.vector_load %arg7[%get3A_582, %get3A_583] {strides = array<i32>} : memref<2x416xf32, #tpu.memory_space<vmem>>, vector<16xf32>,
        %mul3A_585 = arith.constant 8.000000e+00 : f32
        %mul3A_586 = vector.broadcast %mul3A_585 : f32 to vector<16xf32>
        %mul3A_587 = arith.mulf %get3A_584, %mul3A_586 : vector<16xf32>
        %swap3A_588 = arith.constant 1 : i32
        %swap3A_589 = arith.index_cast %swap3A_588 : i32 to index
        %swap3A_590 = arith.constant 144 : index
        %swap3A_591 = tpu.vector_load %arg7[%swap3A_589, %swap3A_590] {strides = array<i32>} : memref<2x416xf32, #tpu.memory_space<vmem>>, vector<16xf32>,
        tpu.vector_store %arg7[%swap3A_589, %swap3A_590], %mul3A_587 {strides = array<i32>} : memref<2x416xf32, #tpu.memory_space<vmem>>, vector<16xf32>,
        %get3A_592 = arith.constant 1 : i32
        %get3A_593 = arith.index_cast %get3A_592 : i32 to index
        %get3A_594 = arith.constant 160 : index
        %get3A_595 = tpu.vector_load %arg7[%get3A_593, %get3A_594] {strides = array<i32>} : memref<2x416xf32, #tpu.memory_space<vmem>>, vector<16xf32>,
        %mul3A_596 = arith.constant 8.000000e+00 : f32
        %mul3A_597 = vector.broadcast %mul3A_596 : f32 to vector<16xf32>
        %mul3A_598 = arith.mulf %get3A_595, %mul3A_597 : vector<16xf32>
        %swap3A_599 = arith.constant 1 : i32
        %swap3A_600 = arith.index_cast %swap3A_599 : i32 to index
        %swap3A_601 = arith.constant 160 : index
        %swap3A_602 = tpu.vector_load %arg7[%swap3A_600, %swap3A_601] {strides = array<i32>} : memref<2x416xf32, #tpu.memory_space<vmem>>, vector<16xf32>,
        tpu.vector_store %arg7[%swap3A_600, %swap3A_601], %mul3A_598 {strides = array<i32>} : memref<2x416xf32, #tpu.memory_space<vmem>>, vector<16xf32>,
        %get3A_603 = arith.constant 1 : i32
        %get3A_604 = arith.index_cast %get3A_603 : i32 to index
        %get3A_605 = arith.constant 176 : index
        %get3A_606 = tpu.vector_load %arg7[%get3A_604, %get3A_605] {strides = array<i32>} : memref<2x416xf32, #tpu.memory_space<vmem>>, vector<16xf32>,
        %mul3A_607 = arith.constant 8.000000e+00 : f32
        %mul3A_608 = vector.broadcast %mul3A_607 : f32 to vector<16xf32>
        %mul3A_609 = arith.mulf %get3A_606, %mul3A_608 : vector<16xf32>
        %swap3A_610 = arith.constant 1 : i32
        %swap3A_611 = arith.index_cast %swap3A_610 : i32 to index
        %swap3A_612 = arith.constant 176 : index
        %swap3A_613 = tpu.vector_load %arg7[%swap3A_611, %swap3A_612] {strides = array<i32>} : memref<2x416xf32, #tpu.memory_space<vmem>>, vector<16xf32>,
        tpu.vector_store %arg7[%swap3A_611, %swap3A_612], %mul3A_609 {strides = array<i32>} : memref<2x416xf32, #tpu.memory_space<vmem>>, vector<16xf32>,
        %get3A_614 = arith.constant 1 : i32
        %get3A_615 = arith.index_cast %get3A_614 : i32 to index
        %get3A_616 = arith.constant 192 : index
        %get3A_617 = tpu.vector_load %arg7[%get3A_615, %get3A_616] {strides = array<i32>} : memref<2x416xf32, #tpu.memory_space<vmem>>, vector<16xf32>,
        %mul3A_618 = arith.constant 8.000000e+00 : f32
        %mul3A_619 = vector.broadcast %mul3A_618 : f32 to vector<16xf32>
        %mul3A_620 = arith.mulf %get3A_617, %mul3A_619 : vector<16xf32>
        %swap3A_621 = arith.constant 1 : i32
        %swap3A_622 = arith.index_cast %swap3A_621 : i32 to index
        %swap3A_623 = arith.constant 192 : index
        %swap3A_624 = tpu.vector_load %arg7[%swap3A_622, %swap3A_623] {strides = array<i32>} : memref<2x416xf32, #tpu.memory_space<vmem>>, vector<16xf32>,
        tpu.vector_store %arg7[%swap3A_622, %swap3A_623], %mul3A_620 {strides = array<i32>} : memref<2x416xf32, #tpu.memory_space<vmem>>, vector<16xf32>,
        %get3A_625 = arith.constant 1 : i32
        %get3A_626 = arith.index_cast %get3A_625 : i32 to index
        %get3A_627 = arith.constant 208 : index
        %get3A_628 = tpu.vector_load %arg7[%get3A_626, %get3A_627] {strides = array<i32>} : memref<2x416xf32, #tpu.memory_space<vmem>>, vector<16xf32>,
        %mul3A_629 = arith.constant 8.000000e+00 : f32
        %mul3A_630 = vector.broadcast %mul3A_629 : f32 to vector<16xf32>
        %mul3A_631 = arith.mulf %get3A_628, %mul3A_630 : vector<16xf32>
        %swap3A_632 = arith.constant 1 : i32
        %swap3A_633 = arith.index_cast %swap3A_632 : i32 to index
        %swap3A_634 = arith.constant 208 : index
        %swap3A_635 = tpu.vector_load %arg7[%swap3A_633, %swap3A_634] {strides = array<i32>} : memref<2x416xf32, #tpu.memory_space<vmem>>, vector<16xf32>,
        tpu.vector_store %arg7[%swap3A_633, %swap3A_634], %mul3A_631 {strides = array<i32>} : memref<2x416xf32, #tpu.memory_space<vmem>>, vector<16xf32>,
        %get3A_636 = arith.constant 1 : i32
        %get3A_637 = arith.index_cast %get3A_636 : i32 to index
        %get3A_638 = arith.constant 224 : index
        %get3A_639 = tpu.vector_load %arg7[%get3A_637, %get3A_638] {strides = array<i32>} : memref<2x416xf32, #tpu.memory_space<vmem>>, vector<16xf32>,
        %mul3A_640 = arith.constant 8.000000e+00 : f32
        %mul3A_641 = vector.broadcast %mul3A_640 : f32 to vector<16xf32>
        %mul3A_642 = arith.mulf %get3A_639, %mul3A_641 : vector<16xf32>
        %swap3A_643 = arith.constant 1 : i32
        %swap3A_644 = arith.index_cast %swap3A_643 : i32 to index
        %swap3A_645 = arith.constant 224 : index
        %swap3A_646 = tpu.vector_load %arg7[%swap3A_644, %swap3A_645] {strides = array<i32>} : memref<2x416xf32, #tpu.memory_space<vmem>>, vector<16xf32>,
        tpu.vector_store %arg7[%swap3A_644, %swap3A_645], %mul3A_642 {strides = array<i32>} : memref<2x416xf32, #tpu.memory_space<vmem>>, vector<16xf32>,
        %get3A_647 = arith.constant 1 : i32
        %get3A_648 = arith.index_cast %get3A_647 : i32 to index
        %get3A_649 = arith.constant 240 : index
        %get3A_650 = tpu.vector_load %arg7[%get3A_648, %get3A_649] {strides = array<i32>} : memref<2x416xf32, #tpu.memory_space<vmem>>, vector<16xf32>,
        %mul3A_651 = arith.constant 8.000000e+00 : f32
        %mul3A_652 = vector.broadcast %mul3A_651 : f32 to vector<16xf32>
        %mul3A_653 = arith.mulf %get3A_650, %mul3A_652 : vector<16xf32>
        %swap3A_654 = arith.constant 1 : i32
        %swap3A_655 = arith.index_cast %swap3A_654 : i32 to index
        %swap3A_656 = arith.constant 240 : index
        %swap3A_657 = tpu.vector_load %arg7[%swap3A_655, %swap3A_656] {strides = array<i32>} : memref<2x416xf32, #tpu.memory_space<vmem>>, vector<16xf32>,
        tpu.vector_store %arg7[%swap3A_655, %swap3A_656], %mul3A_653 {strides = array<i32>} : memref<2x416xf32, #tpu.memory_space<vmem>>, vector<16xf32>,
        %get3A_658 = arith.constant 1 : i32
        %get3A_659 = arith.index_cast %get3A_658 : i32 to index
        %get3A_660 = arith.constant 256 : index
        %get3A_661 = tpu.vector_load %arg7[%get3A_659, %get3A_660] {strides = array<i32>} : memref<2x416xf32, #tpu.memory_space<vmem>>, vector<16xf32>,
        %mul3A_662 = arith.constant 8.000000e+00 : f32
        %mul3A_663 = vector.broadcast %mul3A_662 : f32 to vector<16xf32>
        %mul3A_664 = arith.mulf %get3A_661, %mul3A_663 : vector<16xf32>
        %swap3A_665 = arith.constant 1 : i32
        %swap3A_666 = arith.index_cast %swap3A_665 : i32 to index
        %swap3A_667 = arith.constant 256 : index
        %swap3A_668 = tpu.vector_load %arg7[%swap3A_666, %swap3A_667] {strides = array<i32>} : memref<2x416xf32, #tpu.memory_space<vmem>>, vector<16xf32>,
        tpu.vector_store %arg7[%swap3A_666, %swap3A_667], %mul3A_664 {strides = array<i32>} : memref<2x416xf32, #tpu.memory_space<vmem>>, vector<16xf32>,
        %get3A_669 = arith.constant 1 : i32
        %get3A_670 = arith.index_cast %get3A_669 : i32 to index
        %get3A_671 = arith.constant 272 : index
        %get3A_672 = tpu.vector_load %arg7[%get3A_670, %get3A_671] {strides = array<i32>} : memref<2x416xf32, #tpu.memory_space<vmem>>, vector<16xf32>,
        %mul3A_673 = arith.constant 8.000000e+00 : f32
        %mul3A_674 = vector.broadcast %mul3A_673 : f32 to vector<16xf32>
        %mul3A_675 = arith.mulf %get3A_672, %mul3A_674 : vector<16xf32>
        %swap3A_676 = arith.constant 1 : i32
        %swap3A_677 = arith.index_cast %swap3A_676 : i32 to index
        %swap3A_678 = arith.constant 272 : index
        %swap3A_679 = tpu.vector_load %arg7[%swap3A_677, %swap3A_678] {strides = array<i32>} : memref<2x416xf32, #tpu.memory_space<vmem>>, vector<16xf32>,
        tpu.vector_store %arg7[%swap3A_677, %swap3A_678], %mul3A_675 {strides = array<i32>} : memref<2x416xf32, #tpu.memory_space<vmem>>, vector<16xf32>,
        %get3A_680 = arith.constant 1 : i32
        %get3A_681 = arith.index_cast %get3A_680 : i32 to index
        %get3A_682 = arith.constant 288 : index
        %get3A_683 = tpu.vector_load %arg7[%get3A_681, %get3A_682] {strides = array<i32>} : memref<2x416xf32, #tpu.memory_space<vmem>>, vector<16xf32>,
        %mul3A_684 = arith.constant 8.000000e+00 : f32
        %mul3A_685 = vector.broadcast %mul3A_684 : f32 to vector<16xf32>
        %mul3A_686 = arith.mulf %get3A_683, %mul3A_685 : vector<16xf32>
        %swap3A_687 = arith.constant 1 : i32
        %swap3A_688 = arith.index_cast %swap3A_687 : i32 to index
        %swap3A_689 = arith.constant 288 : index
        %swap3A_690 = tpu.vector_load %arg7[%swap3A_688, %swap3A_689] {strides = array<i32>} : memref<2x416xf32, #tpu.memory_space<vmem>>, vector<16xf32>,
        tpu.vector_store %arg7[%swap3A_688, %swap3A_689], %mul3A_686 {strides = array<i32>} : memref<2x416xf32, #tpu.memory_space<vmem>>, vector<16xf32>,
        %get3A_691 = arith.constant 1 : i32
        %get3A_692 = arith.index_cast %get3A_691 : i32 to index
        %get3A_693 = arith.constant 304 : index
        %get3A_694 = tpu.vector_load %arg7[%get3A_692, %get3A_693] {strides = array<i32>} : memref<2x416xf32, #tpu.memory_space<vmem>>, vector<16xf32>,
        %mul3A_695 = arith.constant 8.000000e+00 : f32
        %mul3A_696 = vector.broadcast %mul3A_695 : f32 to vector<16xf32>
        %mul3A_697 = arith.mulf %get3A_694, %mul3A_696 : vector<16xf32>
        %swap3A_698 = arith.constant 1 : i32
        %swap3A_699 = arith.index_cast %swap3A_698 : i32 to index
        %swap3A_700 = arith.constant 304 : index
        %swap3A_701 = tpu.vector_load %arg7[%swap3A_699, %swap3A_700] {strides = array<i32>} : memref<2x416xf32, #tpu.memory_space<vmem>>, vector<16xf32>,
        tpu.vector_store %arg7[%swap3A_699, %swap3A_700], %mul3A_697 {strides = array<i32>} : memref<2x416xf32, #tpu.memory_space<vmem>>, vector<16xf32>,
        %get3A_702 = arith.constant 1 : i32
        %get3A_703 = arith.index_cast %get3A_702 : i32 to index
        %get3A_704 = arith.constant 320 : index
        %get3A_705 = tpu.vector_load %arg7[%get3A_703, %get3A_704] {strides = array<i32>} : memref<2x416xf32, #tpu.memory_space<vmem>>, vector<16xf32>,
        %mul3A_706 = arith.constant 8.000000e+00 : f32
        %mul3A_707 = vector.broadcast %mul3A_706 : f32 to vector<16xf32>
        %mul3A_708 = arith.mulf %get3A_705, %mul3A_707 : vector<16xf32>
        %swap3A_709 = arith.constant 1 : i32
        %swap3A_710 = arith.index_cast %swap3A_709 : i32 to index
        %swap3A_711 = arith.constant 320 : index
        %swap3A_712 = tpu.vector_load %arg7[%swap3A_710, %swap3A_711] {strides = array<i32>} : memref<2x416xf32, #tpu.memory_space<vmem>>, vector<16xf32>,
        tpu.vector_store %arg7[%swap3A_710, %swap3A_711], %mul3A_708 {strides = array<i32>} : memref<2x416xf32, #tpu.memory_space<vmem>>, vector<16xf32>,
        %get3A_713 = arith.constant 1 : i32
        %get3A_714 = arith.index_cast %get3A_713 : i32 to index
        %get3A_715 = arith.constant 336 : index
        %get3A_716 = tpu.vector_load %arg7[%get3A_714, %get3A_715] {strides = array<i32>} : memref<2x416xf32, #tpu.memory_space<vmem>>, vector<16xf32>,
        %mul3A_717 = arith.constant 8.000000e+00 : f32
        %mul3A_718 = vector.broadcast %mul3A_717 : f32 to vector<16xf32>
        %mul3A_719 = arith.mulf %get3A_716, %mul3A_718 : vector<16xf32>
        %swap3A_720 = arith.constant 1 : i32
        %swap3A_721 = arith.index_cast %swap3A_720 : i32 to index
        %swap3A_722 = arith.constant 336 : index
        %swap3A_723 = tpu.vector_load %arg7[%swap3A_721, %swap3A_722] {strides = array<i32>} : memref<2x416xf32, #tpu.memory_space<vmem>>, vector<16xf32>,
        tpu.vector_store %arg7[%swap3A_721, %swap3A_722], %mul3A_719 {strides = array<i32>} : memref<2x416xf32, #tpu.memory_space<vmem>>, vector<16xf32>,
        %get3A_724 = arith.constant 1 : i32
        %get3A_725 = arith.index_cast %get3A_724 : i32 to index
        %get3A_726 = arith.constant 352 : index
        %get3A_727 = tpu.vector_load %arg7[%get3A_725, %get3A_726] {strides = array<i32>} : memref<2x416xf32, #tpu.memory_space<vmem>>, vector<16xf32>,
        %mul3A_728 = arith.constant 8.000000e+00 : f32
        %mul3A_729 = vector.broadcast %mul3A_728 : f32 to vector<16xf32>
        %mul3A_730 = arith.mulf %get3A_727, %mul3A_729 : vector<16xf32>
        %swap3A_731 = arith.constant 1 : i32
        %swap3A_732 = arith.index_cast %swap3A_731 : i32 to index
        %swap3A_733 = arith.constant 352 : index
        %swap3A_734 = tpu.vector_load %arg7[%swap3A_732, %swap3A_733] {strides = array<i32>} : memref<2x416xf32, #tpu.memory_space<vmem>>, vector<16xf32>,
        tpu.vector_store %arg7[%swap3A_732, %swap3A_733], %mul3A_730 {strides = array<i32>} : memref<2x416xf32, #tpu.memory_space<vmem>>, vector<16xf32>,
        %get3A_735 = arith.constant 1 : i32
        %get3A_736 = arith.index_cast %get3A_735 : i32 to index
        %get3A_737 = arith.constant 368 : index
        %get3A_738 = tpu.vector_load %arg7[%get3A_736, %get3A_737] {strides = array<i32>} : memref<2x416xf32, #tpu.memory_space<vmem>>, vector<16xf32>,
        %mul3A_739 = arith.constant 8.000000e+00 : f32
        %mul3A_740 = vector.broadcast %mul3A_739 : f32 to vector<16xf32>
        %mul3A_741 = arith.mulf %get3A_738, %mul3A_740 : vector<16xf32>
        %swap3A_742 = arith.constant 1 : i32
        %swap3A_743 = arith.index_cast %swap3A_742 : i32 to index
        %swap3A_744 = arith.constant 368 : index
        %swap3A_745 = tpu.vector_load %arg7[%swap3A_743, %swap3A_744] {strides = array<i32>} : memref<2x416xf32, #tpu.memory_space<vmem>>, vector<16xf32>,
        tpu.vector_store %arg7[%swap3A_743, %swap3A_744], %mul3A_741 {strides = array<i32>} : memref<2x416xf32, #tpu.memory_space<vmem>>, vector<16xf32>,
        %get3A_746 = arith.constant 1 : i32
        %get3A_747 = arith.index_cast %get3A_746 : i32 to index
        %get3A_748 = arith.constant 384 : index
        %get3A_749 = tpu.vector_load %arg7[%get3A_747, %get3A_748] {strides = array<i32>} : memref<2x416xf32, #tpu.memory_space<vmem>>, vector<16xf32>,
        %mul3A_750 = arith.constant 8.000000e+00 : f32
        %mul3A_751 = vector.broadcast %mul3A_750 : f32 to vector<16xf32>
        %mul3A_752 = arith.mulf %get3A_749, %mul3A_751 : vector<16xf32>
        %swap3A_753 = arith.constant 1 : i32
        %swap3A_754 = arith.index_cast %swap3A_753 : i32 to index
        %swap3A_755 = arith.constant 384 : index
        %swap3A_756 = tpu.vector_load %arg7[%swap3A_754, %swap3A_755] {strides = array<i32>} : memref<2x416xf32, #tpu.memory_space<vmem>>, vector<16xf32>,
        tpu.vector_store %arg7[%swap3A_754, %swap3A_755], %mul3A_752 {strides = array<i32>} : memref<2x416xf32, #tpu.memory_space<vmem>>, vector<16xf32>,
      } else {
      }
      %dma_wait3A_347 = arith.constant 0 : i32
      %dma_wait3A_348 = arith.constant 0 : i32
      %dma_wait3A_349 = arith.constant 0 : i32
      %dma_wait3A_350 = arith.constant 0 : i32
      %dma_wait3A_351 = tpu.memref_slice %arg8[%dma_wait3A_348, %dma_wait3A_349, %dma_wait3A_350] : memref<2x400x64xf32, #tpu.memory_space<vmem>> -> memref<1x400x64xf32, #tpu.memory_space<vmem>>
      %dma_wait3A_352 = tpu.memref_squeeze %dma_wait3A_351 : memref<1x400x64xf32, #tpu.memory_space<vmem>> -> memref<400x64xf32, #tpu.memory_space<vmem>>
      %dma_wait3A_353 = arith.constant 0 : i32
      %dma_wait3A_354 = tpu.memref_slice %arg6[%dma_wait3A_347, %dma_wait3A_353] : memref<2x400xi32, #tpu.memory_space<vmem>> -> memref<1x400xi32, #tpu.memory_space<vmem>>
      %dma_wait3A_355 = tpu.memref_squeeze %dma_wait3A_354 : memref<1x400xi32, #tpu.memory_space<vmem>> -> memref<400xi32, #tpu.memory_space<vmem>>
      %dma_wait3A_356 = arith.constant 0 : i32
      %dma_wait3A_357 = arith.constant 0 : i32
      %dma_wait3A_358 = tpu.memref_slice %arg2[%dma_wait3A_356, %dma_wait3A_357] : memref<100000x64xf32, #tpu.memory_space<hbm>> -> memref<100000x64xf32, #tpu.memory_space<hbm>>
      tpu.wait_indirect_dma semaphore(%arg10 : memref<!tpu.dma_semaphore, #tpu.memory_space<semaphore_mem>>) src(%dma_wait3A_358 : memref<100000x64xf32, #tpu.memory_space<hbm>>) dst(%dma_wait3A_352 : memref<400x64xf32, #tpu.memory_space<vmem>>)
      %ge3A = arith.constant 2 : i32
      %ge3A_359 = arith.cmpi sge, %add3A_342, %ge3A : i32
      %convert_element_type3A_360 = arith.extui %ge3A_359 : i1 to i32
      %cond3A_361 = arith.constant 0 : i32
      %cond3A_362 = arith.cmpi ne, %convert_element_type3A_360, %cond3A_361 : i32
      scf.if %cond3A_362 {
        %sub3A = arith.constant 2 : i32
        %sub3A_459 = arith.subi %add3A_342, %sub3A : i32
        %mul3A_460 = arith.constant 128 : i32
        %mul3A_461 = arith.muli %add3A, %mul3A_460 : i32
        %mul3A_462 = arith.constant 2 : i32
        %mul3A_463 = arith.muli %sub3A_459, %mul3A_462 : i32
        %add3A_464 = arith.addi %mul3A_461, %mul3A_463 : i32
        %dma_wait3A_465 = arith.constant 0 : i32
        %dma_wait3A_466 = arith.constant 0 : i32
        %dma_wait3A_467 = arith.constant 0 : i32
        %dma_wait3A_468 = arith.constant 0 : i32
        %dma_wait3A_469 = tpu.memref_slice %arg9[%dma_wait3A_465, %dma_wait3A_466, %dma_wait3A_467, %dma_wait3A_468] : memref<2x2x64x200xf32, #tpu.memory_space<vmem>> -> memref<1x2x64x200xf32, #tpu.memory_space<vmem>>
        %dma_wait3A_470 = tpu.memref_squeeze %dma_wait3A_469 : memref<1x2x64x200xf32, #tpu.memory_space<vmem>> -> memref<2x64x200xf32, #tpu.memory_space<vmem>>
        %dma_wait3A_471 = arith.constant 0 : i32
        %dma_wait3A_472 = arith.constant 0 : i32
        %dma_wait3A_473 = tpu.memref_slice %arg5[%add3A_464, %dma_wait3A_471, %dma_wait3A_472] : memref<4096x64x200xf32, #tpu.memory_space<hbm>> -> memref<2x64x200xf32, #tpu.memory_space<hbm>>
        %dma_wait3A_474 = arith.constant 0 : i32
        %dma_wait3A_475 = arith.constant 0 : i32
        %dma_wait3A_476 = tpu.memref_slice %arg5[%add3A_464, %dma_wait3A_474, %dma_wait3A_475] : memref<4096x64x200xf32, #tpu.memory_space<hbm>> -> memref<2x64x200xf32, #tpu.memory_space<hbm>>
        %dma_wait3A_477 = arith.constant 0 : i32
        %dma_wait3A_478 = arith.constant 0 : i32
        %dma_wait3A_479 = arith.constant 0 : i32
        %dma_wait3A_480 = tpu.memref_slice %arg9[%dma_wait3A_465, %dma_wait3A_477, %dma_wait3A_478, %dma_wait3A_479] : memref<2x2x64x200xf32, #tpu.memory_space<vmem>> -> memref<1x2x64x200xf32, #tpu.memory_space<vmem>>
        %dma_wait3A_481 = tpu.memref_squeeze %dma_wait3A_480 : memref<1x2x64x200xf32, #tpu.memory_space<vmem>> -> memref<2x64x200xf32, #tpu.memory_space<vmem>>
        tpu.wait_dma2 semaphore(%arg12 : memref<!tpu.dma_semaphore, #tpu.memory_space<semaphore_mem>>) src(%dma_wait3A_481 : memref<2x64x200xf32, #tpu.memory_space<vmem>>) dst(%dma_wait3A_476 : memref<2x64x200xf32, #tpu.memory_space<hbm>>)
      } else {
      }
      %add3A_363 = arith.constant 0 : i32
      %add3A_364 = vector.broadcast %add3A_363 : i32 to vector<16xi32>
      %add3A_365 = arith.addi %iota3A, %add3A_364 : vector<16xi32>
      %add3A_366 = arith.constant 16 : i32
      %add3A_367 = vector.broadcast %add3A_366 : i32 to vector<16xi32>
      %add3A_368 = arith.addi %iota3A, %add3A_367 : vector<16xi32>
      %add3A_369 = arith.constant 32 : i32
      %add3A_370 = vector.broadcast %add3A_369 : i32 to vector<16xi32>
      %add3A_371 = arith.addi %iota3A, %add3A_370 : vector<16xi32>
      %add3A_372 = arith.constant 48 : i32
      %add3A_373 = vector.broadcast %add3A_372 : i32 to vector<16xi32>
      %add3A_374 = arith.addi %iota3A, %add3A_373 : vector<16xi32>
      %mul3A_375 = arith.constant 128 : i32
      %mul3A_376 = arith.muli %add3A, %mul3A_375 : i32
      %mul3A_377 = arith.constant 2 : i32
      %mul3A_378 = arith.muli %add3A_342, %mul3A_377 : i32
      %add3A_379 = arith.addi %mul3A_376, %mul3A_378 : i32
      %dma_start3A_380 = arith.constant 0 : i32
      %dma_start3A_381 = arith.constant 0 : i32
      %dma_start3A_382 = arith.constant 0 : i32
      %dma_start3A_383 = arith.constant 0 : i32
      %dma_start3A_384 = tpu.memref_slice %arg9[%dma_start3A_380, %dma_start3A_381, %dma_start3A_382, %dma_start3A_383] : memref<2x2x64x200xf32, #tpu.memory_space<vmem>> -> memref<1x2x64x200xf32, #tpu.memory_space<vmem>>
      %dma_start3A_385 = tpu.memref_squeeze %dma_start3A_384 : memref<1x2x64x200xf32, #tpu.memory_space<vmem>> -> memref<2x64x200xf32, #tpu.memory_space<vmem>>
      %dma_start3A_386 = arith.constant 0 : i32
      %dma_start3A_387 = arith.constant 0 : i32
      %dma_start3A_388 = tpu.memref_slice %arg5[%add3A_379, %dma_start3A_386, %dma_start3A_387] : memref<4096x64x200xf32, #tpu.memory_space<hbm>> -> memref<2x64x200xf32, #tpu.memory_space<hbm>>
      %dma_start3A_389 = arith.constant 0 : i32
      %dma_start3A_390 = arith.constant 0 : i32
      %dma_start3A_391 = tpu.memref_slice %arg5[%add3A_379, %dma_start3A_389, %dma_start3A_390] : memref<4096x64x200xf32, #tpu.memory_space<hbm>> -> memref<2x64x200xf32, #tpu.memory_space<hbm>>
      %dma_start3A_392 = arith.constant 0 : i32
      %dma_start3A_393 = arith.constant 0 : i32
      %dma_start3A_394 = arith.constant 0 : i32
      %dma_start3A_395 = tpu.memref_slice %arg9[%dma_start3A_380, %dma_start3A_392, %dma_start3A_393, %dma_start3A_394] : memref<2x2x64x200xf32, #tpu.memory_space<vmem>> -> memref<1x2x64x200xf32, #tpu.memory_space<vmem>>
      %dma_start3A_396 = tpu.memref_squeeze %dma_start3A_395 : memref<1x2x64x200xf32, #tpu.memory_space<vmem>> -> memref<2x64x200xf32, #tpu.memory_space<vmem>>
      tpu.enqueue_dma source(%dma_start3A_396 : memref<2x64x200xf32, #tpu.memory_space<vmem>>) target(%dma_start3A_391 : memref<2x64x200xf32, #tpu.memory_space<hbm>>) target_semaphore(%arg12 : memref<!tpu.dma_semaphore, #tpu.memory_space<semaphore_mem>>)
      %mul3A_397 = arith.constant 2 : i32
      %mul3A_398 = arith.muli %mul3A_397, %scan3A_338 : i32
      %add3A_399 = arith.constant 1 : i32
      %add3A_400 = arith.addi %mul3A_398, %add3A_399 : i32
      %add3A_401 = arith.constant 1 : i32
      %add3A_402 = arith.addi %add3A_400, %add3A_401 : i32
      %lt3A_403 = arith.constant 64 : i32
      %lt3A_404 = arith.cmpi slt, %add3A_402, %lt3A_403 : i32
      %convert_element_type3A_405 = arith.extui %lt3A_404 : i1 to i32
      %cond3A_406 = arith.constant 0 : i32
      %cond3A_407 = arith.cmpi ne, %convert_element_type3A_405, %cond3A_406 : i32
      scf.if %cond3A_407 {
        %add3A_459 = arith.constant 1 : i32
        %add3A_460 = arith.addi %add3A_400, %add3A_459 : i32
        %mul3A_461 = arith.constant 128 : i32
        %mul3A_462 = arith.muli %add3A, %mul3A_461 : i32
        %mul3A_463 = arith.constant 2 : i32
        %mul3A_464 = arith.muli %add3A_460, %mul3A_463 : i32
        %add3A_465 = arith.addi %mul3A_462, %mul3A_464 : i32
        %mul3A_466 = arith.constant 200 : i32
        %mul3A_467 = arith.muli %add3A_465, %mul3A_466 : i32
        %run_scoped3A_468 = arith.constant 0 : i32
        "tpu.region"() ({
          %run_scoped3A_757 = tpu.sem_alloc : memref<!tpu.dma_semaphore, #tpu.memory_space<semaphore_mem>>
          %dma_start3A_758 = arith.constant 0 : i32
          %dma_start3A_759 = tpu.memref_slice %arg6[%run_scoped3A_468, %dma_start3A_758] : memref<2x400xi32, #tpu.memory_space<vmem>> -> memref<1x400xi32, #tpu.memory_space<vmem>>
          %dma_start3A_760 = tpu.memref_squeeze %dma_start3A_759 : memref<1x400xi32, #tpu.memory_space<vmem>> -> memref<400xi32, #tpu.memory_space<vmem>>
          %dma_start3A_761 = tpu.memref_slice %arg3[%mul3A_467] : memref<819200xi32, #tpu.memory_space<hbm>> -> memref<400xi32, #tpu.memory_space<hbm>>
          %dma_start3A_762 = arith.constant 0 : i32
          %dma_start3A_763 = tpu.memref_slice %arg6[%run_scoped3A_468, %dma_start3A_762] : memref<2x400xi32, #tpu.memory_space<vmem>> -> memref<1x400xi32, #tpu.memory_space<vmem>>
          %dma_start3A_764 = tpu.memref_squeeze %dma_start3A_763 : memref<1x400xi32, #tpu.memory_space<vmem>> -> memref<400xi32, #tpu.memory_space<vmem>>
          %dma_start3A_765 = tpu.memref_slice %arg3[%mul3A_467] : memref<819200xi32, #tpu.memory_space<hbm>> -> memref<400xi32, #tpu.memory_space<hbm>>
          tpu.enqueue_dma source(%dma_start3A_765 : memref<400xi32, #tpu.memory_space<hbm>>) target(%dma_start3A_764 : memref<400xi32, #tpu.memory_space<vmem>>) target_semaphore(%run_scoped3A_757 : memref<!tpu.dma_semaphore, #tpu.memory_space<semaphore_mem>>)
          %dma_wait3A_766 = arith.constant 0 : i32
          %dma_wait3A_767 = tpu.memref_slice %arg6[%run_scoped3A_468, %dma_wait3A_766] : memref<2x400xi32, #tpu.memory_space<vmem>> -> memref<1x400xi32, #tpu.memory_space<vmem>>
          %dma_wait3A_768 = tpu.memref_squeeze %dma_wait3A_767 : memref<1x400xi32, #tpu.memory_space<vmem>> -> memref<400xi32, #tpu.memory_space<vmem>>
          %dma_wait3A_769 = tpu.memref_slice %arg3[%mul3A_467] : memref<819200xi32, #tpu.memory_space<hbm>> -> memref<400xi32, #tpu.memory_space<hbm>>
          %dma_wait3A_770 = arith.constant 0 : i32
          %dma_wait3A_771 = tpu.memref_slice %arg6[%run_scoped3A_468, %dma_wait3A_770] : memref<2x400xi32, #tpu.memory_space<vmem>> -> memref<1x400xi32, #tpu.memory_space<vmem>>
          %dma_wait3A_772 = tpu.memref_squeeze %dma_wait3A_771 : memref<1x400xi32, #tpu.memory_space<vmem>> -> memref<400xi32, #tpu.memory_space<vmem>>
          %dma_wait3A_773 = tpu.memref_slice %arg3[%mul3A_467] : memref<819200xi32, #tpu.memory_space<hbm>> -> memref<400xi32, #tpu.memory_space<hbm>>
          tpu.wait_dma2 semaphore(%run_scoped3A_757 : memref<!tpu.dma_semaphore, #tpu.memory_space<semaphore_mem>>) src(%dma_wait3A_773 : memref<400xi32, #tpu.memory_space<hbm>>) dst(%dma_wait3A_772 : memref<400xi32, #tpu.memory_space<vmem>>)
          tpu.yield
        }) : () -> ()
        %run_scoped3A_469 = arith.constant 0 : i32
        "tpu.region"() ({
          %run_scoped3A_757 = tpu.sem_alloc : memref<!tpu.dma_semaphore, #tpu.memory_space<semaphore_mem>>
          %dma_start3A_758 = arith.constant 0 : i32
          %dma_start3A_759 = tpu.memref_slice %arg7[%run_scoped3A_469, %dma_start3A_758] : memref<2x416xf32, #tpu.memory_space<vmem>> -> memref<1x400xf32, #tpu.memory_space<vmem>>
          %dma_start3A_760 = tpu.memref_squeeze %dma_start3A_759 : memref<1x400xf32, #tpu.memory_space<vmem>> -> memref<400xf32, #tpu.memory_space<vmem>>
          %dma_start3A_761 = tpu.memref_slice %arg4[%mul3A_467] : memref<819200xf32, #tpu.memory_space<hbm>> -> memref<400xf32, #tpu.memory_space<hbm>>
          %dma_start3A_762 = arith.constant 0 : i32
          %dma_start3A_763 = tpu.memref_slice %arg7[%run_scoped3A_469, %dma_start3A_762] : memref<2x416xf32, #tpu.memory_space<vmem>> -> memref<1x400xf32, #tpu.memory_space<vmem>>
          %dma_start3A_764 = tpu.memref_squeeze %dma_start3A_763 : memref<1x400xf32, #tpu.memory_space<vmem>> -> memref<400xf32, #tpu.memory_space<vmem>>
          %dma_start3A_765 = tpu.memref_slice %arg4[%mul3A_467] : memref<819200xf32, #tpu.memory_space<hbm>> -> memref<400xf32, #tpu.memory_space<hbm>>
          tpu.enqueue_dma source(%dma_start3A_765 : memref<400xf32, #tpu.memory_space<hbm>>) target(%dma_start3A_764 : memref<400xf32, #tpu.memory_space<vmem>>) target_semaphore(%run_scoped3A_757 : memref<!tpu.dma_semaphore, #tpu.memory_space<semaphore_mem>>)
          %dma_wait3A_766 = arith.constant 0 : i32
          %dma_wait3A_767 = tpu.memref_slice %arg7[%run_scoped3A_469, %dma_wait3A_766] : memref<2x416xf32, #tpu.memory_space<vmem>> -> memref<1x400xf32, #tpu.memory_space<vmem>>
          %dma_wait3A_768 = tpu.memref_squeeze %dma_wait3A_767 : memref<1x400xf32, #tpu.memory_space<vmem>> -> memref<400xf32, #tpu.memory_space<vmem>>
          %dma_wait3A_769 = tpu.memref_slice %arg4[%mul3A_467] : memref<819200xf32, #tpu.memory_space<hbm>> -> memref<400xf32, #tpu.memory_space<hbm>>
          %dma_wait3A_770 = arith.constant 0 : i32
          %dma_wait3A_771 = tpu.memref_slice %arg7[%run_scoped3A_469, %dma_wait3A_770] : memref<2x416xf32, #tpu.memory_space<vmem>> -> memref<1x400xf32, #tpu.memory_space<vmem>>
          %dma_wait3A_772 = tpu.memref_squeeze %dma_wait3A_771 : memref<1x400xf32, #tpu.memory_space<vmem>> -> memref<400xf32, #tpu.memory_space<vmem>>
          %dma_wait3A_773 = tpu.memref_slice %arg4[%mul3A_467] : memref<819200xf32, #tpu.memory_space<hbm>> -> memref<400xf32, #tpu.memory_space<hbm>>
          tpu.wait_dma2 semaphore(%run_scoped3A_757 : memref<!tpu.dma_semaphore, #tpu.memory_space<semaphore_mem>>) src(%dma_wait3A_773 : memref<400xf32, #tpu.memory_space<hbm>>) dst(%dma_wait3A_772 : memref<400xf32, #tpu.memory_space<vmem>>)
          tpu.yield
        }) : () -> ()
        %dma_start3A_470 = arith.constant 0 : i32
        %dma_start3A_471 = arith.constant 0 : i32
        %dma_start3A_472 = arith.constant 0 : i32
        %dma_start3A_473 = arith.constant 0 : i32
        %dma_start3A_474 = tpu.memref_slice %arg8[%dma_start3A_471, %dma_start3A_472, %dma_start3A_473] : memref<2x400x64xf32, #tpu.memory_space<vmem>> -> memref<1x400x64xf32, #tpu.memory_space<vmem>>
        %dma_start3A_475 = tpu.memref_squeeze %dma_start3A_474 : memref<1x400x64xf32, #tpu.memory_space<vmem>> -> memref<400x64xf32, #tpu.memory_space<vmem>>
        %dma_start3A_476 = arith.constant 0 : i32
        %dma_start3A_477 = tpu.memref_slice %arg6[%dma_start3A_470, %dma_start3A_476] : memref<2x400xi32, #tpu.memory_space<vmem>> -> memref<1x400xi32, #tpu.memory_space<vmem>>
        %dma_start3A_478 = tpu.memref_squeeze %dma_start3A_477 : memref<1x400xi32, #tpu.memory_space<vmem>> -> memref<400xi32, #tpu.memory_space<vmem>>
        %dma_start3A_479 = arith.constant 0 : i32
        %dma_start3A_480 = arith.constant 0 : i32
        %dma_start3A_481 = tpu.memref_slice %arg2[%dma_start3A_479, %dma_start3A_480] : memref<100000x64xf32, #tpu.memory_space<hbm>> -> memref<100000x64xf32, #tpu.memory_space<hbm>>
        tpu.enqueue_indirect_dma source(%dma_start3A_481 : memref<100000x64xf32, #tpu.memory_space<hbm>>) target(%dma_start3A_475 : memref<400x64xf32, #tpu.memory_space<vmem>>) offsets(%dma_start3A_478 : memref<400xi32, #tpu.memory_space<vmem>>) semaphore(%arg10 : memref<!tpu.dma_semaphore, #tpu.memory_space<semaphore_mem>>)
        %get3A_482 = arith.constant 0 : i32
        %get3A_483 = arith.index_cast %get3A_482 : i32 to index
        %get3A_484 = arith.constant 0 : index
        %get3A_485 = tpu.vector_load %arg7[%get3A_483, %get3A_484] {strides = array<i32>} : memref<2x416xf32, #tpu.memory_space<vmem>>, vector<16xf32>,
        %mul3A_486 = arith.constant 8.000000e+00 : f32
        %mul3A_487 = vector.broadcast %mul3A_486 : f32 to vector<16xf32>
        %mul3A_488 = arith.mulf %get3A_485, %mul3A_487 : vector<16xf32>
        %swap3A_489 = arith.constant 0 : i32
        %swap3A_490 = arith.index_cast %swap3A_489 : i32 to index
        %swap3A_491 = arith.constant 0 : index
        %swap3A_492 = tpu.vector_load %arg7[%swap3A_490, %swap3A_491] {strides = array<i32>} : memref<2x416xf32, #tpu.memory_space<vmem>>, vector<16xf32>,
        tpu.vector_store %arg7[%swap3A_490, %swap3A_491], %mul3A_488 {strides = array<i32>} : memref<2x416xf32, #tpu.memory_space<vmem>>, vector<16xf32>,
        %get3A_493 = arith.constant 0 : i32
        %get3A_494 = arith.index_cast %get3A_493 : i32 to index
        %get3A_495 = arith.constant 16 : index
        %get3A_496 = tpu.vector_load %arg7[%get3A_494, %get3A_495] {strides = array<i32>} : memref<2x416xf32, #tpu.memory_space<vmem>>, vector<16xf32>,
        %mul3A_497 = arith.constant 8.000000e+00 : f32
        %mul3A_498 = vector.broadcast %mul3A_497 : f32 to vector<16xf32>
        %mul3A_499 = arith.mulf %get3A_496, %mul3A_498 : vector<16xf32>
        %swap3A_500 = arith.constant 0 : i32
        %swap3A_501 = arith.index_cast %swap3A_500 : i32 to index
        %swap3A_502 = arith.constant 16 : index
        %swap3A_503 = tpu.vector_load %arg7[%swap3A_501, %swap3A_502] {strides = array<i32>} : memref<2x416xf32, #tpu.memory_space<vmem>>, vector<16xf32>,
        tpu.vector_store %arg7[%swap3A_501, %swap3A_502], %mul3A_499 {strides = array<i32>} : memref<2x416xf32, #tpu.memory_space<vmem>>, vector<16xf32>,
        %get3A_504 = arith.constant 0 : i32
        %get3A_505 = arith.index_cast %get3A_504 : i32 to index
        %get3A_506 = arith.constant 32 : index
        %get3A_507 = tpu.vector_load %arg7[%get3A_505, %get3A_506] {strides = array<i32>} : memref<2x416xf32, #tpu.memory_space<vmem>>, vector<16xf32>,
        %mul3A_508 = arith.constant 8.000000e+00 : f32
        %mul3A_509 = vector.broadcast %mul3A_508 : f32 to vector<16xf32>
        %mul3A_510 = arith.mulf %get3A_507, %mul3A_509 : vector<16xf32>
        %swap3A_511 = arith.constant 0 : i32
        %swap3A_512 = arith.index_cast %swap3A_511 : i32 to index
        %swap3A_513 = arith.constant 32 : index
        %swap3A_514 = tpu.vector_load %arg7[%swap3A_512, %swap3A_513] {strides = array<i32>} : memref<2x416xf32, #tpu.memory_space<vmem>>, vector<16xf32>,
        tpu.vector_store %arg7[%swap3A_512, %swap3A_513], %mul3A_510 {strides = array<i32>} : memref<2x416xf32, #tpu.memory_space<vmem>>, vector<16xf32>,
        %get3A_515 = arith.constant 0 : i32
        %get3A_516 = arith.index_cast %get3A_515 : i32 to index
        %get3A_517 = arith.constant 48 : index
        %get3A_518 = tpu.vector_load %arg7[%get3A_516, %get3A_517] {strides = array<i32>} : memref<2x416xf32, #tpu.memory_space<vmem>>, vector<16xf32>,
        %mul3A_519 = arith.constant 8.000000e+00 : f32
        %mul3A_520 = vector.broadcast %mul3A_519 : f32 to vector<16xf32>
        %mul3A_521 = arith.mulf %get3A_518, %mul3A_520 : vector<16xf32>
        %swap3A_522 = arith.constant 0 : i32
        %swap3A_523 = arith.index_cast %swap3A_522 : i32 to index
        %swap3A_524 = arith.constant 48 : index
        %swap3A_525 = tpu.vector_load %arg7[%swap3A_523, %swap3A_524] {strides = array<i32>} : memref<2x416xf32, #tpu.memory_space<vmem>>, vector<16xf32>,
        tpu.vector_store %arg7[%swap3A_523, %swap3A_524], %mul3A_521 {strides = array<i32>} : memref<2x416xf32, #tpu.memory_space<vmem>>, vector<16xf32>,
        %get3A_526 = arith.constant 0 : i32
        %get3A_527 = arith.index_cast %get3A_526 : i32 to index
        %get3A_528 = arith.constant 64 : index
        %get3A_529 = tpu.vector_load %arg7[%get3A_527, %get3A_528] {strides = array<i32>} : memref<2x416xf32, #tpu.memory_space<vmem>>, vector<16xf32>,
        %mul3A_530 = arith.constant 8.000000e+00 : f32
        %mul3A_531 = vector.broadcast %mul3A_530 : f32 to vector<16xf32>
        %mul3A_532 = arith.mulf %get3A_529, %mul3A_531 : vector<16xf32>
        %swap3A_533 = arith.constant 0 : i32
        %swap3A_534 = arith.index_cast %swap3A_533 : i32 to index
        %swap3A_535 = arith.constant 64 : index
        %swap3A_536 = tpu.vector_load %arg7[%swap3A_534, %swap3A_535] {strides = array<i32>} : memref<2x416xf32, #tpu.memory_space<vmem>>, vector<16xf32>,
        tpu.vector_store %arg7[%swap3A_534, %swap3A_535], %mul3A_532 {strides = array<i32>} : memref<2x416xf32, #tpu.memory_space<vmem>>, vector<16xf32>,
        %get3A_537 = arith.constant 0 : i32
        %get3A_538 = arith.index_cast %get3A_537 : i32 to index
        %get3A_539 = arith.constant 80 : index
        %get3A_540 = tpu.vector_load %arg7[%get3A_538, %get3A_539] {strides = array<i32>} : memref<2x416xf32, #tpu.memory_space<vmem>>, vector<16xf32>,
        %mul3A_541 = arith.constant 8.000000e+00 : f32
        %mul3A_542 = vector.broadcast %mul3A_541 : f32 to vector<16xf32>
        %mul3A_543 = arith.mulf %get3A_540, %mul3A_542 : vector<16xf32>
        %swap3A_544 = arith.constant 0 : i32
        %swap3A_545 = arith.index_cast %swap3A_544 : i32 to index
        %swap3A_546 = arith.constant 80 : index
        %swap3A_547 = tpu.vector_load %arg7[%swap3A_545, %swap3A_546] {strides = array<i32>} : memref<2x416xf32, #tpu.memory_space<vmem>>, vector<16xf32>,
        tpu.vector_store %arg7[%swap3A_545, %swap3A_546], %mul3A_543 {strides = array<i32>} : memref<2x416xf32, #tpu.memory_space<vmem>>, vector<16xf32>,
        %get3A_548 = arith.constant 0 : i32
        %get3A_549 = arith.index_cast %get3A_548 : i32 to index
        %get3A_550 = arith.constant 96 : index
        %get3A_551 = tpu.vector_load %arg7[%get3A_549, %get3A_550] {strides = array<i32>} : memref<2x416xf32, #tpu.memory_space<vmem>>, vector<16xf32>,
        %mul3A_552 = arith.constant 8.000000e+00 : f32
        %mul3A_553 = vector.broadcast %mul3A_552 : f32 to vector<16xf32>
        %mul3A_554 = arith.mulf %get3A_551, %mul3A_553 : vector<16xf32>
        %swap3A_555 = arith.constant 0 : i32
        %swap3A_556 = arith.index_cast %swap3A_555 : i32 to index
        %swap3A_557 = arith.constant 96 : index
        %swap3A_558 = tpu.vector_load %arg7[%swap3A_556, %swap3A_557] {strides = array<i32>} : memref<2x416xf32, #tpu.memory_space<vmem>>, vector<16xf32>,
        tpu.vector_store %arg7[%swap3A_556, %swap3A_557], %mul3A_554 {strides = array<i32>} : memref<2x416xf32, #tpu.memory_space<vmem>>, vector<16xf32>,
        %get3A_559 = arith.constant 0 : i32
        %get3A_560 = arith.index_cast %get3A_559 : i32 to index
        %get3A_561 = arith.constant 112 : index
        %get3A_562 = tpu.vector_load %arg7[%get3A_560, %get3A_561] {strides = array<i32>} : memref<2x416xf32, #tpu.memory_space<vmem>>, vector<16xf32>,
        %mul3A_563 = arith.constant 8.000000e+00 : f32
        %mul3A_564 = vector.broadcast %mul3A_563 : f32 to vector<16xf32>
        %mul3A_565 = arith.mulf %get3A_562, %mul3A_564 : vector<16xf32>
        %swap3A_566 = arith.constant 0 : i32
        %swap3A_567 = arith.index_cast %swap3A_566 : i32 to index
        %swap3A_568 = arith.constant 112 : index
        %swap3A_569 = tpu.vector_load %arg7[%swap3A_567, %swap3A_568] {strides = array<i32>} : memref<2x416xf32, #tpu.memory_space<vmem>>, vector<16xf32>,
        tpu.vector_store %arg7[%swap3A_567, %swap3A_568], %mul3A_565 {strides = array<i32>} : memref<2x416xf32, #tpu.memory_space<vmem>>, vector<16xf32>,
        %get3A_570 = arith.constant 0 : i32
        %get3A_571 = arith.index_cast %get3A_570 : i32 to index
        %get3A_572 = arith.constant 128 : index
        %get3A_573 = tpu.vector_load %arg7[%get3A_571, %get3A_572] {strides = array<i32>} : memref<2x416xf32, #tpu.memory_space<vmem>>, vector<16xf32>,
        %mul3A_574 = arith.constant 8.000000e+00 : f32
        %mul3A_575 = vector.broadcast %mul3A_574 : f32 to vector<16xf32>
        %mul3A_576 = arith.mulf %get3A_573, %mul3A_575 : vector<16xf32>
        %swap3A_577 = arith.constant 0 : i32
        %swap3A_578 = arith.index_cast %swap3A_577 : i32 to index
        %swap3A_579 = arith.constant 128 : index
        %swap3A_580 = tpu.vector_load %arg7[%swap3A_578, %swap3A_579] {strides = array<i32>} : memref<2x416xf32, #tpu.memory_space<vmem>>, vector<16xf32>,
        tpu.vector_store %arg7[%swap3A_578, %swap3A_579], %mul3A_576 {strides = array<i32>} : memref<2x416xf32, #tpu.memory_space<vmem>>, vector<16xf32>,
        %get3A_581 = arith.constant 0 : i32
        %get3A_582 = arith.index_cast %get3A_581 : i32 to index
        %get3A_583 = arith.constant 144 : index
        %get3A_584 = tpu.vector_load %arg7[%get3A_582, %get3A_583] {strides = array<i32>} : memref<2x416xf32, #tpu.memory_space<vmem>>, vector<16xf32>,
        %mul3A_585 = arith.constant 8.000000e+00 : f32
        %mul3A_586 = vector.broadcast %mul3A_585 : f32 to vector<16xf32>
        %mul3A_587 = arith.mulf %get3A_584, %mul3A_586 : vector<16xf32>
        %swap3A_588 = arith.constant 0 : i32
        %swap3A_589 = arith.index_cast %swap3A_588 : i32 to index
        %swap3A_590 = arith.constant 144 : index
        %swap3A_591 = tpu.vector_load %arg7[%swap3A_589, %swap3A_590] {strides = array<i32>} : memref<2x416xf32, #tpu.memory_space<vmem>>, vector<16xf32>,
        tpu.vector_store %arg7[%swap3A_589, %swap3A_590], %mul3A_587 {strides = array<i32>} : memref<2x416xf32, #tpu.memory_space<vmem>>, vector<16xf32>,
        %get3A_592 = arith.constant 0 : i32
        %get3A_593 = arith.index_cast %get3A_592 : i32 to index
        %get3A_594 = arith.constant 160 : index
        %get3A_595 = tpu.vector_load %arg7[%get3A_593, %get3A_594] {strides = array<i32>} : memref<2x416xf32, #tpu.memory_space<vmem>>, vector<16xf32>,
        %mul3A_596 = arith.constant 8.000000e+00 : f32
        %mul3A_597 = vector.broadcast %mul3A_596 : f32 to vector<16xf32>
        %mul3A_598 = arith.mulf %get3A_595, %mul3A_597 : vector<16xf32>
        %swap3A_599 = arith.constant 0 : i32
        %swap3A_600 = arith.index_cast %swap3A_599 : i32 to index
        %swap3A_601 = arith.constant 160 : index
        %swap3A_602 = tpu.vector_load %arg7[%swap3A_600, %swap3A_601] {strides = array<i32>} : memref<2x416xf32, #tpu.memory_space<vmem>>, vector<16xf32>,
        tpu.vector_store %arg7[%swap3A_600, %swap3A_601], %mul3A_598 {strides = array<i32>} : memref<2x416xf32, #tpu.memory_space<vmem>>, vector<16xf32>,
        %get3A_603 = arith.constant 0 : i32
        %get3A_604 = arith.index_cast %get3A_603 : i32 to index
        %get3A_605 = arith.constant 176 : index
        %get3A_606 = tpu.vector_load %arg7[%get3A_604, %get3A_605] {strides = array<i32>} : memref<2x416xf32, #tpu.memory_space<vmem>>, vector<16xf32>,
        %mul3A_607 = arith.constant 8.000000e+00 : f32
        %mul3A_608 = vector.broadcast %mul3A_607 : f32 to vector<16xf32>
        %mul3A_609 = arith.mulf %get3A_606, %mul3A_608 : vector<16xf32>
        %swap3A_610 = arith.constant 0 : i32
        %swap3A_611 = arith.index_cast %swap3A_610 : i32 to index
        %swap3A_612 = arith.constant 176 : index
        %swap3A_613 = tpu.vector_load %arg7[%swap3A_611, %swap3A_612] {strides = array<i32>} : memref<2x416xf32, #tpu.memory_space<vmem>>, vector<16xf32>,
        tpu.vector_store %arg7[%swap3A_611, %swap3A_612], %mul3A_609 {strides = array<i32>} : memref<2x416xf32, #tpu.memory_space<vmem>>, vector<16xf32>,
        %get3A_614 = arith.constant 0 : i32
        %get3A_615 = arith.index_cast %get3A_614 : i32 to index
        %get3A_616 = arith.constant 192 : index
        %get3A_617 = tpu.vector_load %arg7[%get3A_615, %get3A_616] {strides = array<i32>} : memref<2x416xf32, #tpu.memory_space<vmem>>, vector<16xf32>,
        %mul3A_618 = arith.constant 8.000000e+00 : f32
        %mul3A_619 = vector.broadcast %mul3A_618 : f32 to vector<16xf32>
        %mul3A_620 = arith.mulf %get3A_617, %mul3A_619 : vector<16xf32>
        %swap3A_621 = arith.constant 0 : i32
        %swap3A_622 = arith.index_cast %swap3A_621 : i32 to index
        %swap3A_623 = arith.constant 192 : index
        %swap3A_624 = tpu.vector_load %arg7[%swap3A_622, %swap3A_623] {strides = array<i32>} : memref<2x416xf32, #tpu.memory_space<vmem>>, vector<16xf32>,
        tpu.vector_store %arg7[%swap3A_622, %swap3A_623], %mul3A_620 {strides = array<i32>} : memref<2x416xf32, #tpu.memory_space<vmem>>, vector<16xf32>,
        %get3A_625 = arith.constant 0 : i32
        %get3A_626 = arith.index_cast %get3A_625 : i32 to index
        %get3A_627 = arith.constant 208 : index
        %get3A_628 = tpu.vector_load %arg7[%get3A_626, %get3A_627] {strides = array<i32>} : memref<2x416xf32, #tpu.memory_space<vmem>>, vector<16xf32>,
        %mul3A_629 = arith.constant 8.000000e+00 : f32
        %mul3A_630 = vector.broadcast %mul3A_629 : f32 to vector<16xf32>
        %mul3A_631 = arith.mulf %get3A_628, %mul3A_630 : vector<16xf32>
        %swap3A_632 = arith.constant 0 : i32
        %swap3A_633 = arith.index_cast %swap3A_632 : i32 to index
        %swap3A_634 = arith.constant 208 : index
        %swap3A_635 = tpu.vector_load %arg7[%swap3A_633, %swap3A_634] {strides = array<i32>} : memref<2x416xf32, #tpu.memory_space<vmem>>, vector<16xf32>,
        tpu.vector_store %arg7[%swap3A_633, %swap3A_634], %mul3A_631 {strides = array<i32>} : memref<2x416xf32, #tpu.memory_space<vmem>>, vector<16xf32>,
        %get3A_636 = arith.constant 0 : i32
        %get3A_637 = arith.index_cast %get3A_636 : i32 to index
        %get3A_638 = arith.constant 224 : index
        %get3A_639 = tpu.vector_load %arg7[%get3A_637, %get3A_638] {strides = array<i32>} : memref<2x416xf32, #tpu.memory_space<vmem>>, vector<16xf32>,
        %mul3A_640 = arith.constant 8.000000e+00 : f32
        %mul3A_641 = vector.broadcast %mul3A_640 : f32 to vector<16xf32>
        %mul3A_642 = arith.mulf %get3A_639, %mul3A_641 : vector<16xf32>
        %swap3A_643 = arith.constant 0 : i32
        %swap3A_644 = arith.index_cast %swap3A_643 : i32 to index
        %swap3A_645 = arith.constant 224 : index
        %swap3A_646 = tpu.vector_load %arg7[%swap3A_644, %swap3A_645] {strides = array<i32>} : memref<2x416xf32, #tpu.memory_space<vmem>>, vector<16xf32>,
        tpu.vector_store %arg7[%swap3A_644, %swap3A_645], %mul3A_642 {strides = array<i32>} : memref<2x416xf32, #tpu.memory_space<vmem>>, vector<16xf32>,
        %get3A_647 = arith.constant 0 : i32
        %get3A_648 = arith.index_cast %get3A_647 : i32 to index
        %get3A_649 = arith.constant 240 : index
        %get3A_650 = tpu.vector_load %arg7[%get3A_648, %get3A_649] {strides = array<i32>} : memref<2x416xf32, #tpu.memory_space<vmem>>, vector<16xf32>,
        %mul3A_651 = arith.constant 8.000000e+00 : f32
        %mul3A_652 = vector.broadcast %mul3A_651 : f32 to vector<16xf32>
        %mul3A_653 = arith.mulf %get3A_650, %mul3A_652 : vector<16xf32>
        %swap3A_654 = arith.constant 0 : i32
        %swap3A_655 = arith.index_cast %swap3A_654 : i32 to index
        %swap3A_656 = arith.constant 240 : index
        %swap3A_657 = tpu.vector_load %arg7[%swap3A_655, %swap3A_656] {strides = array<i32>} : memref<2x416xf32, #tpu.memory_space<vmem>>, vector<16xf32>,
        tpu.vector_store %arg7[%swap3A_655, %swap3A_656], %mul3A_653 {strides = array<i32>} : memref<2x416xf32, #tpu.memory_space<vmem>>, vector<16xf32>,
        %get3A_658 = arith.constant 0 : i32
        %get3A_659 = arith.index_cast %get3A_658 : i32 to index
        %get3A_660 = arith.constant 256 : index
        %get3A_661 = tpu.vector_load %arg7[%get3A_659, %get3A_660] {strides = array<i32>} : memref<2x416xf32, #tpu.memory_space<vmem>>, vector<16xf32>,
        %mul3A_662 = arith.constant 8.000000e+00 : f32
        %mul3A_663 = vector.broadcast %mul3A_662 : f32 to vector<16xf32>
        %mul3A_664 = arith.mulf %get3A_661, %mul3A_663 : vector<16xf32>
        %swap3A_665 = arith.constant 0 : i32
        %swap3A_666 = arith.index_cast %swap3A_665 : i32 to index
        %swap3A_667 = arith.constant 256 : index
        %swap3A_668 = tpu.vector_load %arg7[%swap3A_666, %swap3A_667] {strides = array<i32>} : memref<2x416xf32, #tpu.memory_space<vmem>>, vector<16xf32>,
        tpu.vector_store %arg7[%swap3A_666, %swap3A_667], %mul3A_664 {strides = array<i32>} : memref<2x416xf32, #tpu.memory_space<vmem>>, vector<16xf32>,
        %get3A_669 = arith.constant 0 : i32
        %get3A_670 = arith.index_cast %get3A_669 : i32 to index
        %get3A_671 = arith.constant 272 : index
        %get3A_672 = tpu.vector_load %arg7[%get3A_670, %get3A_671] {strides = array<i32>} : memref<2x416xf32, #tpu.memory_space<vmem>>, vector<16xf32>,
        %mul3A_673 = arith.constant 8.000000e+00 : f32
        %mul3A_674 = vector.broadcast %mul3A_673 : f32 to vector<16xf32>
        %mul3A_675 = arith.mulf %get3A_672, %mul3A_674 : vector<16xf32>
        %swap3A_676 = arith.constant 0 : i32
        %swap3A_677 = arith.index_cast %swap3A_676 : i32 to index
        %swap3A_678 = arith.constant 272 : index
        %swap3A_679 = tpu.vector_load %arg7[%swap3A_677, %swap3A_678] {strides = array<i32>} : memref<2x416xf32, #tpu.memory_space<vmem>>, vector<16xf32>,
        tpu.vector_store %arg7[%swap3A_677, %swap3A_678], %mul3A_675 {strides = array<i32>} : memref<2x416xf32, #tpu.memory_space<vmem>>, vector<16xf32>,
        %get3A_680 = arith.constant 0 : i32
        %get3A_681 = arith.index_cast %get3A_680 : i32 to index
        %get3A_682 = arith.constant 288 : index
        %get3A_683 = tpu.vector_load %arg7[%get3A_681, %get3A_682] {strides = array<i32>} : memref<2x416xf32, #tpu.memory_space<vmem>>, vector<16xf32>,
        %mul3A_684 = arith.constant 8.000000e+00 : f32
        %mul3A_685 = vector.broadcast %mul3A_684 : f32 to vector<16xf32>
        %mul3A_686 = arith.mulf %get3A_683, %mul3A_685 : vector<16xf32>
        %swap3A_687 = arith.constant 0 : i32
        %swap3A_688 = arith.index_cast %swap3A_687 : i32 to index
        %swap3A_689 = arith.constant 288 : index
        %swap3A_690 = tpu.vector_load %arg7[%swap3A_688, %swap3A_689] {strides = array<i32>} : memref<2x416xf32, #tpu.memory_space<vmem>>, vector<16xf32>,
        tpu.vector_store %arg7[%swap3A_688, %swap3A_689], %mul3A_686 {strides = array<i32>} : memref<2x416xf32, #tpu.memory_space<vmem>>, vector<16xf32>,
        %get3A_691 = arith.constant 0 : i32
        %get3A_692 = arith.index_cast %get3A_691 : i32 to index
        %get3A_693 = arith.constant 304 : index
        %get3A_694 = tpu.vector_load %arg7[%get3A_692, %get3A_693] {strides = array<i32>} : memref<2x416xf32, #tpu.memory_space<vmem>>, vector<16xf32>,
        %mul3A_695 = arith.constant 8.000000e+00 : f32
        %mul3A_696 = vector.broadcast %mul3A_695 : f32 to vector<16xf32>
        %mul3A_697 = arith.mulf %get3A_694, %mul3A_696 : vector<16xf32>
        %swap3A_698 = arith.constant 0 : i32
        %swap3A_699 = arith.index_cast %swap3A_698 : i32 to index
        %swap3A_700 = arith.constant 304 : index
        %swap3A_701 = tpu.vector_load %arg7[%swap3A_699, %swap3A_700] {strides = array<i32>} : memref<2x416xf32, #tpu.memory_space<vmem>>, vector<16xf32>,
        tpu.vector_store %arg7[%swap3A_699, %swap3A_700], %mul3A_697 {strides = array<i32>} : memref<2x416xf32, #tpu.memory_space<vmem>>, vector<16xf32>,
        %get3A_702 = arith.constant 0 : i32
        %get3A_703 = arith.index_cast %get3A_702 : i32 to index
        %get3A_704 = arith.constant 320 : index
        %get3A_705 = tpu.vector_load %arg7[%get3A_703, %get3A_704] {strides = array<i32>} : memref<2x416xf32, #tpu.memory_space<vmem>>, vector<16xf32>,
        %mul3A_706 = arith.constant 8.000000e+00 : f32
        %mul3A_707 = vector.broadcast %mul3A_706 : f32 to vector<16xf32>
        %mul3A_708 = arith.mulf %get3A_705, %mul3A_707 : vector<16xf32>
        %swap3A_709 = arith.constant 0 : i32
        %swap3A_710 = arith.index_cast %swap3A_709 : i32 to index
        %swap3A_711 = arith.constant 320 : index
        %swap3A_712 = tpu.vector_load %arg7[%swap3A_710, %swap3A_711] {strides = array<i32>} : memref<2x416xf32, #tpu.memory_space<vmem>>, vector<16xf32>,
        tpu.vector_store %arg7[%swap3A_710, %swap3A_711], %mul3A_708 {strides = array<i32>} : memref<2x416xf32, #tpu.memory_space<vmem>>, vector<16xf32>,
        %get3A_713 = arith.constant 0 : i32
        %get3A_714 = arith.index_cast %get3A_713 : i32 to index
        %get3A_715 = arith.constant 336 : index
        %get3A_716 = tpu.vector_load %arg7[%get3A_714, %get3A_715] {strides = array<i32>} : memref<2x416xf32, #tpu.memory_space<vmem>>, vector<16xf32>,
        %mul3A_717 = arith.constant 8.000000e+00 : f32
        %mul3A_718 = vector.broadcast %mul3A_717 : f32 to vector<16xf32>
        %mul3A_719 = arith.mulf %get3A_716, %mul3A_718 : vector<16xf32>
        %swap3A_720 = arith.constant 0 : i32
        %swap3A_721 = arith.index_cast %swap3A_720 : i32 to index
        %swap3A_722 = arith.constant 336 : index
        %swap3A_723 = tpu.vector_load %arg7[%swap3A_721, %swap3A_722] {strides = array<i32>} : memref<2x416xf32, #tpu.memory_space<vmem>>, vector<16xf32>,
        tpu.vector_store %arg7[%swap3A_721, %swap3A_722], %mul3A_719 {strides = array<i32>} : memref<2x416xf32, #tpu.memory_space<vmem>>, vector<16xf32>,
        %get3A_724 = arith.constant 0 : i32
        %get3A_725 = arith.index_cast %get3A_724 : i32 to index
        %get3A_726 = arith.constant 352 : index
        %get3A_727 = tpu.vector_load %arg7[%get3A_725, %get3A_726] {strides = array<i32>} : memref<2x416xf32, #tpu.memory_space<vmem>>, vector<16xf32>,
        %mul3A_728 = arith.constant 8.000000e+00 : f32
        %mul3A_729 = vector.broadcast %mul3A_728 : f32 to vector<16xf32>
        %mul3A_730 = arith.mulf %get3A_727, %mul3A_729 : vector<16xf32>
        %swap3A_731 = arith.constant 0 : i32
        %swap3A_732 = arith.index_cast %swap3A_731 : i32 to index
        %swap3A_733 = arith.constant 352 : index
        %swap3A_734 = tpu.vector_load %arg7[%swap3A_732, %swap3A_733] {strides = array<i32>} : memref<2x416xf32, #tpu.memory_space<vmem>>, vector<16xf32>,
        tpu.vector_store %arg7[%swap3A_732, %swap3A_733], %mul3A_730 {strides = array<i32>} : memref<2x416xf32, #tpu.memory_space<vmem>>, vector<16xf32>,
        %get3A_735 = arith.constant 0 : i32
        %get3A_736 = arith.index_cast %get3A_735 : i32 to index
        %get3A_737 = arith.constant 368 : index
        %get3A_738 = tpu.vector_load %arg7[%get3A_736, %get3A_737] {strides = array<i32>} : memref<2x416xf32, #tpu.memory_space<vmem>>, vector<16xf32>,
        %mul3A_739 = arith.constant 8.000000e+00 : f32
        %mul3A_740 = vector.broadcast %mul3A_739 : f32 to vector<16xf32>
        %mul3A_741 = arith.mulf %get3A_738, %mul3A_740 : vector<16xf32>
        %swap3A_742 = arith.constant 0 : i32
        %swap3A_743 = arith.index_cast %swap3A_742 : i32 to index
        %swap3A_744 = arith.constant 368 : index
        %swap3A_745 = tpu.vector_load %arg7[%swap3A_743, %swap3A_744] {strides = array<i32>} : memref<2x416xf32, #tpu.memory_space<vmem>>, vector<16xf32>,
        tpu.vector_store %arg7[%swap3A_743, %swap3A_744], %mul3A_741 {strides = array<i32>} : memref<2x416xf32, #tpu.memory_space<vmem>>, vector<16xf32>,
        %get3A_746 = arith.constant 0 : i32
        %get3A_747 = arith.index_cast %get3A_746 : i32 to index
        %get3A_748 = arith.constant 384 : index
        %get3A_749 = tpu.vector_load %arg7[%get3A_747, %get3A_748] {strides = array<i32>} : memref<2x416xf32, #tpu.memory_space<vmem>>, vector<16xf32>,
        %mul3A_750 = arith.constant 8.000000e+00 : f32
        %mul3A_751 = vector.broadcast %mul3A_750 : f32 to vector<16xf32>
        %mul3A_752 = arith.mulf %get3A_749, %mul3A_751 : vector<16xf32>
        %swap3A_753 = arith.constant 0 : i32
        %swap3A_754 = arith.index_cast %swap3A_753 : i32 to index
        %swap3A_755 = arith.constant 384 : index
        %swap3A_756 = tpu.vector_load %arg7[%swap3A_754, %swap3A_755] {strides = array<i32>} : memref<2x416xf32, #tpu.memory_space<vmem>>, vector<16xf32>,
        tpu.vector_store %arg7[%swap3A_754, %swap3A_755], %mul3A_752 {strides = array<i32>} : memref<2x416xf32, #tpu.memory_space<vmem>>, vector<16xf32>,
      } else {
      }
      %dma_wait3A_408 = arith.constant 1 : i32
      %dma_wait3A_409 = arith.constant 1 : i32
      %dma_wait3A_410 = arith.constant 0 : i32
      %dma_wait3A_411 = arith.constant 0 : i32
      %dma_wait3A_412 = tpu.memref_slice %arg8[%dma_wait3A_409, %dma_wait3A_410, %dma_wait3A_411] : memref<2x400x64xf32, #tpu.memory_space<vmem>> -> memref<1x400x64xf32, #tpu.memory_space<vmem>>
      %dma_wait3A_413 = tpu.memref_squeeze %dma_wait3A_412 : memref<1x400x64xf32, #tpu.memory_space<vmem>> -> memref<400x64xf32, #tpu.memory_space<vmem>>
      %dma_wait3A_414 = arith.constant 0 : i32
      %dma_wait3A_415 = tpu.memref_slice %arg6[%dma_wait3A_408, %dma_wait3A_414] : memref<2x400xi32, #tpu.memory_space<vmem>> -> memref<1x400xi32, #tpu.memory_space<vmem>>
      %dma_wait3A_416 = tpu.memref_squeeze %dma_wait3A_415 : memref<1x400xi32, #tpu.memory_space<vmem>> -> memref<400xi32, #tpu.memory_space<vmem>>
      %dma_wait3A_417 = arith.constant 0 : i32
      %dma_wait3A_418 = arith.constant 0 : i32
      %dma_wait3A_419 = tpu.memref_slice %arg2[%dma_wait3A_417, %dma_wait3A_418] : memref<100000x64xf32, #tpu.memory_space<hbm>> -> memref<100000x64xf32, #tpu.memory_space<hbm>>
      tpu.wait_indirect_dma semaphore(%arg11 : memref<!tpu.dma_semaphore, #tpu.memory_space<semaphore_mem>>) src(%dma_wait3A_419 : memref<100000x64xf32, #tpu.memory_space<hbm>>) dst(%dma_wait3A_413 : memref<400x64xf32, #tpu.memory_space<vmem>>)
      %ge3A_420 = arith.constant 2 : i32
      %ge3A_421 = arith.cmpi sge, %add3A_400, %ge3A_420 : i32
      %convert_element_type3A_422 = arith.extui %ge3A_421 : i1 to i32
      %cond3A_423 = arith.constant 0 : i32
      %cond3A_424 = arith.cmpi ne, %convert_element_type3A_422, %cond3A_423 : i32
      scf.if %cond3A_424 {
        %sub3A = arith.constant 2 : i32
        %sub3A_459 = arith.subi %add3A_400, %sub3A : i32
        %mul3A_460 = arith.constant 128 : i32
        %mul3A_461 = arith.muli %add3A, %mul3A_460 : i32
        %mul3A_462 = arith.constant 2 : i32
        %mul3A_463 = arith.muli %sub3A_459, %mul3A_462 : i32
        %add3A_464 = arith.addi %mul3A_461, %mul3A_463 : i32
        %dma_wait3A_465 = arith.constant 1 : i32
        %dma_wait3A_466 = arith.constant 0 : i32
        %dma_wait3A_467 = arith.constant 0 : i32
        %dma_wait3A_468 = arith.constant 0 : i32
        %dma_wait3A_469 = tpu.memref_slice %arg9[%dma_wait3A_465, %dma_wait3A_466, %dma_wait3A_467, %dma_wait3A_468] : memref<2x2x64x200xf32, #tpu.memory_space<vmem>> -> memref<1x2x64x200xf32, #tpu.memory_space<vmem>>
        %dma_wait3A_470 = tpu.memref_squeeze %dma_wait3A_469 : memref<1x2x64x200xf32, #tpu.memory_space<vmem>> -> memref<2x64x200xf32, #tpu.memory_space<vmem>>
        %dma_wait3A_471 = arith.constant 0 : i32
        %dma_wait3A_472 = arith.constant 0 : i32
        %dma_wait3A_473 = tpu.memref_slice %arg5[%add3A_464, %dma_wait3A_471, %dma_wait3A_472] : memref<4096x64x200xf32, #tpu.memory_space<hbm>> -> memref<2x64x200xf32, #tpu.memory_space<hbm>>
        %dma_wait3A_474 = arith.constant 0 : i32
        %dma_wait3A_475 = arith.constant 0 : i32
        %dma_wait3A_476 = tpu.memref_slice %arg5[%add3A_464, %dma_wait3A_474, %dma_wait3A_475] : memref<4096x64x200xf32, #tpu.memory_space<hbm>> -> memref<2x64x200xf32, #tpu.memory_space<hbm>>
        %dma_wait3A_477 = arith.constant 0 : i32
        %dma_wait3A_478 = arith.constant 0 : i32
        %dma_wait3A_479 = arith.constant 0 : i32
        %dma_wait3A_480 = tpu.memref_slice %arg9[%dma_wait3A_465, %dma_wait3A_477, %dma_wait3A_478, %dma_wait3A_479] : memref<2x2x64x200xf32, #tpu.memory_space<vmem>> -> memref<1x2x64x200xf32, #tpu.memory_space<vmem>>
        %dma_wait3A_481 = tpu.memref_squeeze %dma_wait3A_480 : memref<1x2x64x200xf32, #tpu.memory_space<vmem>> -> memref<2x64x200xf32, #tpu.memory_space<vmem>>
        tpu.wait_dma2 semaphore(%arg13 : memref<!tpu.dma_semaphore, #tpu.memory_space<semaphore_mem>>) src(%dma_wait3A_481 : memref<2x64x200xf32, #tpu.memory_space<vmem>>) dst(%dma_wait3A_476 : memref<2x64x200xf32, #tpu.memory_space<hbm>>)
      } else {
      }
      %add3A_425 = arith.constant 0 : i32
      %add3A_426 = vector.broadcast %add3A_425 : i32 to vector<16xi32>
      %add3A_427 = arith.addi %iota3A, %add3A_426 : vector<16xi32>
      %add3A_428 = arith.constant 16 : i32
      %add3A_429 = vector.broadcast %add3A_428 : i32 to vector<16xi32>
      %add3A_430 = arith.addi %iota3A, %add3A_429 : vector<16xi32>
      %add3A_431 = arith.constant 32 : i32
      %add3A_432 = vector.broadcast %add3A_431 : i32 to vector<16xi32>
      %add3A_433 = arith.addi %iota3A, %add3A_432 : vector<16xi32>
      %add3A_434 = arith.constant 48 : i32
      %add3A_435 = vector.broadcast %add3A_434 : i32 to vector<16xi32>
      %add3A_436 = arith.addi %iota3A, %add3A_435 : vector<16xi32>
      %mul3A_437 = arith.constant 128 : i32
      %mul3A_438 = arith.muli %add3A, %mul3A_437 : i32
      %mul3A_439 = arith.constant 2 : i32
      %mul3A_440 = arith.muli %add3A_400, %mul3A_439 : i32
      %add3A_441 = arith.addi %mul3A_438, %mul3A_440 : i32
      %dma_start3A_442 = arith.constant 1 : i32
      %dma_start3A_443 = arith.constant 0 : i32
      %dma_start3A_444 = arith.constant 0 : i32
      %dma_start3A_445 = arith.constant 0 : i32
      %dma_start3A_446 = tpu.memref_slice %arg9[%dma_start3A_442, %dma_start3A_443, %dma_start3A_444, %dma_start3A_445] : memref<2x2x64x200xf32, #tpu.memory_space<vmem>> -> memref<1x2x64x200xf32, #tpu.memory_space<vmem>>
      %dma_start3A_447 = tpu.memref_squeeze %dma_start3A_446 : memref<1x2x64x200xf32, #tpu.memory_space<vmem>> -> memref<2x64x200xf32, #tpu.memory_space<vmem>>
      %dma_start3A_448 = arith.constant 0 : i32
      %dma_start3A_449 = arith.constant 0 : i32
      %dma_start3A_450 = tpu.memref_slice %arg5[%add3A_441, %dma_start3A_448, %dma_start3A_449] : memref<4096x64x200xf32, #tpu.memory_space<hbm>> -> memref<2x64x200xf32, #tpu.memory_space<hbm>>
      %dma_start3A_451 = arith.constant 0 : i32
      %dma_start3A_452 = arith.constant 0 : i32
      %dma_start3A_453 = tpu.memref_slice %arg5[%add3A_441, %dma_start3A_451, %dma_start3A_452] : memref<4096x64x200xf32, #tpu.memory_space<hbm>> -> memref<2x64x200xf32, #tpu.memory_space<hbm>>
      %dma_start3A_454 = arith.constant 0 : i32
      %dma_start3A_455 = arith.constant 0 : i32
      %dma_start3A_456 = arith.constant 0 : i32
      %dma_start3A_457 = tpu.memref_slice %arg9[%dma_start3A_442, %dma_start3A_454, %dma_start3A_455, %dma_start3A_456] : memref<2x2x64x200xf32, #tpu.memory_space<vmem>> -> memref<1x2x64x200xf32, #tpu.memory_space<vmem>>
      %dma_start3A_458 = tpu.memref_squeeze %dma_start3A_457 : memref<1x2x64x200xf32, #tpu.memory_space<vmem>> -> memref<2x64x200xf32, #tpu.memory_space<vmem>>
      tpu.enqueue_dma source(%dma_start3A_458 : memref<2x64x200xf32, #tpu.memory_space<vmem>>) target(%dma_start3A_453 : memref<2x64x200xf32, #tpu.memory_space<hbm>>) target_semaphore(%arg13 : memref<!tpu.dma_semaphore, #tpu.memory_space<semaphore_mem>>)
    }
    %scan3A_296 = arith.constant 32 : i32
    %mul3A_297 = arith.constant 128 : i32
    %mul3A_298 = arith.muli %add3A, %mul3A_297 : i32
    %add3A_299 = arith.constant 124 : i32
    %add3A_300 = arith.addi %mul3A_298, %add3A_299 : i32
    %dma_wait3A = arith.constant 0 : i32
    %dma_wait3A_301 = arith.constant 0 : i32
    %dma_wait3A_302 = arith.constant 0 : i32
    %dma_wait3A_303 = arith.constant 0 : i32
    %dma_wait3A_304 = tpu.memref_slice %arg9[%dma_wait3A, %dma_wait3A_301, %dma_wait3A_302, %dma_wait3A_303] : memref<2x2x64x200xf32, #tpu.memory_space<vmem>> -> memref<1x2x64x200xf32, #tpu.memory_space<vmem>>
    %dma_wait3A_305 = tpu.memref_squeeze %dma_wait3A_304 : memref<1x2x64x200xf32, #tpu.memory_space<vmem>> -> memref<2x64x200xf32, #tpu.memory_space<vmem>>
    %dma_wait3A_306 = arith.constant 0 : i32
    %dma_wait3A_307 = arith.constant 0 : i32
    %dma_wait3A_308 = tpu.memref_slice %arg5[%add3A_300, %dma_wait3A_306, %dma_wait3A_307] : memref<4096x64x200xf32, #tpu.memory_space<hbm>> -> memref<2x64x200xf32, #tpu.memory_space<hbm>>
    %dma_wait3A_309 = arith.constant 0 : i32
    %dma_wait3A_310 = arith.constant 0 : i32
    %dma_wait3A_311 = tpu.memref_slice %arg5[%add3A_300, %dma_wait3A_309, %dma_wait3A_310] : memref<4096x64x200xf32, #tpu.memory_space<hbm>> -> memref<2x64x200xf32, #tpu.memory_space<hbm>>
    %dma_wait3A_312 = arith.constant 0 : i32
    %dma_wait3A_313 = arith.constant 0 : i32
    %dma_wait3A_314 = arith.constant 0 : i32
    %dma_wait3A_315 = tpu.memref_slice %arg9[%dma_wait3A, %dma_wait3A_312, %dma_wait3A_313, %dma_wait3A_314] : memref<2x2x64x200xf32, #tpu.memory_space<vmem>> -> memref<1x2x64x200xf32, #tpu.memory_space<vmem>>
    %dma_wait3A_316 = tpu.memref_squeeze %dma_wait3A_315 : memref<1x2x64x200xf32, #tpu.memory_space<vmem>> -> memref<2x64x200xf32, #tpu.memory_space<vmem>>
    tpu.wait_dma2 semaphore(%arg12 : memref<!tpu.dma_semaphore, #tpu.memory_space<semaphore_mem>>) src(%dma_wait3A_316 : memref<2x64x200xf32, #tpu.memory_space<vmem>>) dst(%dma_wait3A_311 : memref<2x64x200xf32, #tpu.memory_space<hbm>>)
    %mul3A_317 = arith.constant 128 : i32
    %mul3A_318 = arith.muli %add3A, %mul3A_317 : i32
    %add3A_319 = arith.constant 126 : i32
    %add3A_320 = arith.addi %mul3A_318, %add3A_319 : i32
    %dma_wait3A_321 = arith.constant 1 : i32
    %dma_wait3A_322 = arith.constant 0 : i32
    %dma_wait3A_323 = arith.constant 0 : i32
    %dma_wait3A_324 = arith.constant 0 : i32
    %dma_wait3A_325 = tpu.memref_slice %arg9[%dma_wait3A_321, %dma_wait3A_322, %dma_wait3A_323, %dma_wait3A_324] : memref<2x2x64x200xf32, #tpu.memory_space<vmem>> -> memref<1x2x64x200xf32, #tpu.memory_space<vmem>>
    %dma_wait3A_326 = tpu.memref_squeeze %dma_wait3A_325 : memref<1x2x64x200xf32, #tpu.memory_space<vmem>> -> memref<2x64x200xf32, #tpu.memory_space<vmem>>
    %dma_wait3A_327 = arith.constant 0 : i32
    %dma_wait3A_328 = arith.constant 0 : i32
    %dma_wait3A_329 = tpu.memref_slice %arg5[%add3A_320, %dma_wait3A_327, %dma_wait3A_328] : memref<4096x64x200xf32, #tpu.memory_space<hbm>> -> memref<2x64x200xf32, #tpu.memory_space<hbm>>
    %dma_wait3A_330 = arith.constant 0 : i32
    %dma_wait3A_331 = arith.constant 0 : i32
    %dma_wait3A_332 = tpu.memref_slice %arg5[%add3A_320, %dma_wait3A_330, %dma_wait3A_331] : memref<4096x64x200xf32, #tpu.memory_space<hbm>> -> memref<2x64x200xf32, #tpu.memory_space<hbm>>
    %dma_wait3A_333 = arith.constant 0 : i32
    %dma_wait3A_334 = arith.constant 0 : i32
    %dma_wait3A_335 = arith.constant 0 : i32
    %dma_wait3A_336 = tpu.memref_slice %arg9[%dma_wait3A_321, %dma_wait3A_333, %dma_wait3A_334, %dma_wait3A_335] : memref<2x2x64x200xf32, #tpu.memory_space<vmem>> -> memref<1x2x64x200xf32, #tpu.memory_space<vmem>>
    %dma_wait3A_337 = tpu.memref_squeeze %dma_wait3A_336 : memref<1x2x64x200xf32, #tpu.memory_space<vmem>> -> memref<2x64x200xf32, #tpu.memory_space<vmem>>
    tpu.wait_dma2 semaphore(%arg13 : memref<!tpu.dma_semaphore, #tpu.memory_space<semaphore_mem>>) src(%dma_wait3A_337 : memref<2x64x200xf32, #tpu.memory_space<vmem>>) dst(%dma_wait3A_332 : memref<2x64x200xf32, #tpu.memory_space<hbm>>)
    return
  }
}

</mosaic_0001>

<sc_bundles>
// kernel: kernel.3.cloned.1.call-start
scs
__scs_entry_jumppad:
0x0: {  	(pc) =	sbr.rel $0x88, $3  }
0x1: {  	(tag) =	ssettag $0x0;
	lr =	simm.s32 $0x1  }
0x2: {  	[smem:$0x3F9E] =	sst lr;
	_ =	strace $0xD0000000  }
0x3: {  	_ = 	snop  }
0x4: {  	_ = 	snop  }
0x5: {  	_ = 	snop  }
0x6: {  	_ = 	snop  }
0x7: {  	_ = 	snop  }
__scs_overlays_trampoline_lowered:
0x8: {  	[smem:$0x3FAD] =	sst s0  }
0x9: {  	[smem:$0x3FAE] =	sst s1  }
0xa: {  	[smem:$0x3FAF] =	sst s2  }
0xb: {  	[smem:$0x3FB0] =	sst s3  }
0xc: {  	[smem:$0x3FB1] =	sst s4  }
0xd: {  	[smem:$0x3FB2] =	sst s5  }
0xe: {  	[smem:$0x3FB3] =	sst s6  }
0xf: {  	[smem:$0x3FB4] =	sst s7  }
0x10: {  	[smem:$0x3FB5] =	sst s8  }
0x11: {  	[smem:$0x3FB6] =	sst s9;
	s0 =	simm.s32 @!p0 $0x0  }
0x12: {  	s1 =	sld [smem:$0x3F9C];
	s0 =	simm.s32 @p0 $0x1  }
0x13: {  	[smem:$0x3FB7] =	sst s0;
	s0 =	simm.s32 @!p1 $0x0  }
0x14: {  	s2 =	sld [smem:$0x3F9B];
	s0 =	simm.s32 @p1 $0x1  }
0x15: {  	[smem:$0x3FB8] =	sst s0;
	s0 =	simm.s32 @!p2 $0x0  }
0x16: {  	s3 =	sld [smem:$0x3FDB];
	s0 =	simm.s32 @p2 $0x1  }
0x17: {  	s4 =	simm.s32 $0x1BF5;
	[smem:$0x3FBA] =	sst s0  }
0x18: {  	s0 =	sld [smem:$0x3F9D];
	_ =	swait.ge [sflag:s4], $0x0  }
0x19: {  	s7 =	sld [smem:$0x3F9E]  }
0x1a: {  	s8 =	sadd.s32 $0xFFFFE003, lr  }
0x1b: {  	s9 =	sadd.s32 $0xFFFFFEF7, lr;
	s5 =	simm.s32 $0xFFFFFFFF;
	p2 =	slt.u32 s8, $0xFFFFF086  }
0x1c: {  	p1 =	slt.u32 s9, $0xF7A;
	s5 =	simm.s32 @!p2 $0x0  }
0x1d: {  	s5 =	simm.s32 @p1 $0x1;
	p0 =	seq.s32 s7, s2  }
0x1e: {  	s7 =	smul.u32 @!p0 $0xF7A, s2;
	p2 =	seq.s32 @!p0 s5, $0x0  }
0x1f: {  	s9 =	smul.u32 $0xF7A, s1;
	s8 =	simm.s32 @!p0 $0x1BF5;
	p2 =	por !p2, p0  }
0x20: {  	[sflag:s8] =	ssyncset.s32 @!p0 $0xFFFFF086;
	s6 =	sadd.s32 @!p0 s3, s7;
	s7 =	simm.s32 @!p0 $0x108  }
0x21: {  	s3 =	sadd.s32 s3, s9;
	s6 =	sadd.s32 @!p0 $0x88, s6;
	s7 =	simm.s32 @p2 $0x1082  }
0x22: {  	[simem:s7], [sflag:s8] =	dma.local @!p0 [hbm:s6], $0xF7A  }
0x23: {  	s9 =	sor.u32 $0xD0000000, s2;
	s6 =	simm.s32 $0x108;
	_ =	swait.ge @!p0 [sflag:s8], $0x0  }
0x24: {  	s3 =	sadd.s32 $0x88, s3;
	s6 =	simm.s32 @!p1 $0x1082;
	[sflag:s4] =	ssyncset.s32 $0xFFFFF086  }
0x25: {  	[simem:s6], [sflag:s4] =	dma.local [hbm:s3], $0xF7A  }
0x26: {  	[smem:$0x3F9E] =	sst s1;
	(tag) =	ssettag s2;
	_ =	strace s9  }
0x27: {  	s1 =	sld [smem:$0x3FAE]  }
0x28: {  	s2 =	sld [smem:$0x3FAF]  }
0x29: {  	s4 =	sld [smem:$0x3FB1]  }
0x2a: {  	p0 =	seq.s32 s5, $0x0;
	s5 =	sld [smem:$0x3FB2]  }
0x2b: {  	s6 =	sld [smem:$0x3FB3]  }
0x2c: {  	s7 =	sld [smem:$0x3FB4]  }
0x2d: {  	s3 =	simm.s32 $0x108;
	s8 =	sld [smem:$0x3FB5]  }
0x2e: {  	s3 =	simm.s32 @!p0 $0x1082;
	s9 =	sld [smem:$0x3FB6]  }
0x2f: {  	lr =	sadd.s32 s0, s3;
	s0 =	sld [smem:$0x3FAD]  }
0x30: {  	s3 =	sld [smem:$0x3FB0]  }
0x31: {  	[smem:$0x3FB9] =	sst s10  }
0x32: {  	s10 =	sld [smem:$0x3FB7];
	_ =	sdelay $0x3  }
0x33: {  	p0 =	seq.s32 s10, $0x1;
	s10 =	sld [smem:$0x3FB9];
	_ =	sdelay $0x3  }
0x34: {  	[smem:$0x3FB9] =	sst s10  }
0x35: {  	s10 =	sld [smem:$0x3FB8];
	_ =	sdelay $0x3  }
0x36: {  	p1 =	seq.s32 s10, $0x1;
	s10 =	sld [smem:$0x3FB9];
	_ =	sdelay $0x3  }
0x37: {  	[smem:$0x3FB9] =	sst s10  }
0x38: {  	s10 =	sld [smem:$0x3FBA]  }
0x39: {  	_ = 	snop;
	(pc) =	sbr.ind lr, $3  }
0x3a: {  	_ = 	snop  }
0x3b: {  	_ = 	snop  }
0x3c: {  	p2 =	seq.s32 s10, $0x1;
	s10 =	sld [smem:$0x3FB9]  }
0x3d: {  	_ =	shalt  }
0x3e: {  	_ =	shalt  }
0x3f: {  	_ =	shalt  }
0x40: {  	_ =	shalt  }
0x41: {  	_ =	shalt  }
0x42: {  	_ =	shalt  }
0x43: {  	_ =	shalt  }
0x44: {  	_ =	shalt  }
0x45: {  	_ =	shalt  }
0x46: {  	_ =	shalt  }
0x47: {  	_ =	shalt  }
0x48: {  	_ =	shalt  }
0x49: {  	_ =	shalt  }
0x4a: {  	_ =	shalt  }
0x4b: {  	_ =	shalt  }
0x4c: {  	_ =	shalt  }
0x4d: {  	_ =	shalt  }
0x4e: {  	_ =	shalt  }
0x4f: {  	_ =	shalt  }
0x50: {  	_ =	shalt  }
0x51: {  	_ =	shalt  }
0x52: {  	_ =	shalt  }
0x53: {  	_ =	shalt  }
0x54: {  	_ =	shalt  }
0x55: {  	_ =	shalt  }
0x56: {  	_ =	shalt  }
0x57: {  	_ =	shalt  }
0x58: {  	_ =	shalt  }
0x59: {  	_ =	shalt  }
0x5a: {  	_ =	shalt  }
0x5b: {  	_ =	shalt  }
0x5c: {  	_ =	shalt  }
0x5d: {  	_ =	shalt  }
0x5e: {  	_ =	shalt  }
0x5f: {  	_ =	shalt  }
0x60: {  	_ =	shalt  }
0x61: {  	_ =	shalt  }
0x62: {  	_ =	shalt  }
0x63: {  	_ =	shalt  }
0x64: {  	_ =	shalt  }
0x65: {  	_ =	shalt  }
0x66: {  	_ =	shalt  }
0x67: {  	_ =	shalt  }
0x68: {  	_ =	shalt  }
0x69: {  	_ =	shalt  }
0x6a: {  	_ =	shalt  }
0x6b: {  	_ =	shalt  }
0x6c: {  	_ =	shalt  }
0x6d: {  	_ =	shalt  }
0x6e: {  	_ =	shalt  }
0x6f: {  	_ =	shalt  }
0x70: {  	_ =	shalt  }
0x71: {  	_ =	shalt  }
0x72: {  	_ =	shalt  }
0x73: {  	_ =	shalt  }
0x74: {  	_ =	shalt  }
0x75: {  	_ =	shalt  }
0x76: {  	_ =	shalt  }
0x77: {  	_ =	shalt  }
0x78: {  	_ =	shalt  }
0x79: {  	_ =	shalt  }
0x7a: {  	_ =	shalt  }
0x7b: {  	_ =	shalt  }
0x7c: {  	_ =	shalt  }
0x7d: {  	_ =	shalt  }
0x7e: {  	_ =	shalt  }
0x7f: {  	_ =	shalt  }
0x80: {  	_ =	shalt  }
0x81: {  	_ =	shalt  }
0x82: {  	_ =	shalt  }
0x83: {  	_ =	shalt  }
0x84: {  	_ =	shalt  }
0x85: {  	_ =	shalt  }
0x86: {  	_ =	shalt  }
0x87: {  	_ =	shalt  }
.Lfunc_end0:
.L_simem_size_0:
called_computation.1_lowered:
.L_overlay_start_0:
0x88: {  	s2 =	sld [smem:$0x3FD9]  }
0x89: {  	s3 =	sld [smem:$0x3FFE];
	_ =	sdelay $0x1  }
0x8a: {  	s1 =	srdreg.scid  }
0x8b: {  	s0 =	sand.u32 $0x1, s1  }
0x8c: {  	s17 =	sshll.u32 s0, $0xA;
	s2 =	sadd.s32 s3, s2  }
0x8d: {  	s2 =	sadd.s32 s2, s17  }
0x8e: {  	[smem:$0x3FC5] =	sst s2  }
0x8f: {  	_ = 	snop  }
0x90: {  	s2 =	sld [smem:$0x3FD0];
	(tm) =	ssettm $0x1  }
0x91: {  	s18 =	sld [smem:$0x3FFB];
	_ =	sdelay $0x3  }
0x92: {  	_ =	strace s18  }
0x93: {  	s3 =	sld [smem:$0x3FFC];
	_ =	sdelay $0x3  }
0x94: {  	_ =	strace s3  }
0x95: {  	s3 =	sld [smem:$0x3FFD];
	_ =	sdelay $0x3  }
0x96: {  	_ =	strace s3  }
0x97: {  	_ =	strace $0x8FFFFFFF  }
0x98: {  	s19 =	sld [smem:$0x3FDB];
	_ =	sdelay $0x1  }
0x99: {  	s4 =	simm.s32 $_scs_section_size  }
0x9a: {  	s5 =	simm.s32 $_size__tile_overlayer_lowered;
	s6 =	simm.s32 $_tile_overlayer_lowered  }
0x9b: {  	s22 =	simm.s32 $0x1BFF;
	s21 =	sshll.u32 s6, $0x1;
	s3 =	sadd.s32 s4, s19  }
0x9c: {  	s7 =	simm.s32 $0x0;
	s20 =	sshll.u32 s5, $0x1;
	s5 =	sadd.s32 s21, s3  }
0x9d: {  	[timem:s7], [sflag:s22] =	dma.local [hbm:s5], s20  }
0x9e: {  	_ =	swait.ge [sflag:s22], s20  }
0x9f: {  	s4 =	ssub.s32 $0x0, s20;
	[sflag:s22] =	ssyncset.done $0x0  }
0xa0: {  	[sflag:s22] =	ssyncadd.s32 s4;
	_ =	sdelay $0x1  }
0xa1: {  	s23 =	simm.s32 $0x1B8B  }
0xa2: {  	_ =	swait.ge [sflag:s23], $0x1  }
0xa3: {  	[sflag:s23] =	ssyncset.done $0x0  }
0xa4: {  	s25 =	simm.s32 $0x1B8E;
	s24 =	sld [smem:$0x3FFE];
	[sflag:s23] =	ssyncadd.s32 $0xFFFFFFFF  }
0xa5: {  	s26 =	simm.s32 $execute0_lowered;
	[smem:$0x3FD2] =	sst s25  }
0xa6: {  	s5 =	sshll.u32 s26, $0x1;
	_ =	strace $0x80000046;
	[dreg:$0x1] =	wrdreg $0xFFFFFFFF  }
0xa7: {  	s28 =	simm.s32 $_size_execute0_lowered;
	s3 =	sadd.s32 s3, s5;
	[dreg:$0x0] =	wrdreg $0x0  }
0xa8: {  	s5 =	sshll.u32 s28, $0x1;
	[dreg:$0x2] =	wrdreg s3  }
0xa9: {  	[dreg:$0x3] =	wrdreg s5  }
0xaa: {  	[dreg:$0x4] =	wrdreg $0xC0  }
0xab: {  	_ =	task [dreg:s7], $0x5FFFF  }
0xac: {  	[dreg:$0x1] =	wrdreg $0xFFFFFFFF  }
0xad: {  	[dreg:$0x0] =	wrdreg $0x60  }
0xae: {  	[dreg:$0x2] =	wrdreg s24  }
0xaf: {  	[dreg:$0x3] =	wrdreg s2  }
0xb0: {  	[dreg:$0x4] =	wrdreg $0x9  }
0xb1: {  	_ =	task.clear_ibuf [dreg:s7], $0x5FFFF;
	_ =	strace $0x90000046  }
0xb2: {  	s29 =	simm.s32 $0x9;
	_ =	strace $0x80000048  }
0xb3: {  	_ =	swait.ge [sflag:s29], $0x1  }
0xb4: {  	[sflag:s29] =	ssyncadd.s32 $0xFFFFFFFF  }
0xb5: {  	_ =	strace $0x90000048  }
0xb6: {  	_ =	sfence  }
0xb7: {  	s30 =	sld [smem:$0x0];
	_ =	sdelay $0x2  }
0xb8: {  	s31 =	sshll.u32 s1, $0xD;
	s1 =	sshrl.u32 s1, $0x2  }
0xb9: {  	s3 =	sand.u32 $0x4000, s31;
	s1 =	sadd.s32 s1, s30  }
0xba: {  	s0 =	sor.u32 s3, s0;
	s1 =	sshll.u32 s1, $0x11  }
0xbb: {  	s0 =	sor.u32 s1, s0  }
0xbc: {  	s0 =	sadd.s32 $0x8F2B, s0  }
0xbd: {  	[sflag:s0] =	ssyncadd.remote.s32 $0x1  }
0xbe: {  	_ =	sfence.sel $0xFFFF  }
0xbf: {  	[dreg:$0x0] =	wrdreg $0xFFFFFFFF;
	(pc) =	sbr.abs _section_cstart, $3  }
0xc0: {  	[dreg:$0x1] =	wrdreg $0xFFFFFFFF  }
0xc1: {  	_ =	task.clear_ibuf [dreg:s7], $0x2FFFF;
	_ =	strace $0x9FFFFFFF  }
0xc2: {  	(tm) =	ssettm $0x7FFFFFFF  }
0xc3: {  	_ =	shalt  }
tec
execute0_lowered:
.L_overlay_start_1:
0x0: {  	(tag) =	ssettag $0x1  }
0x1: {  	s4 =	rddreg [dreg:$0x0]  }
0x2: {  	s7 =	rddreg [dreg:$0x1]  }
0x3: {  	s0 =	rddreg [dreg:$0x2]  }
0x4: {  	s2 =	simm.s32 $0x0;
	s3 =	srdreg.scid;
	s1 =	stileid.u32  }
0x5: {  	s14 =	simm.s32 $0x4C0;
	s15 =	simm.s32 $0x6A60;
	s16 =	simm.s32 $0x1  }
0x6: {  	s17 =	simm.s32 $0xCE60;
	s18 =	simm.s32 $0x2;
	s19 =	simm.s32 $0x4  }
0x7: {  	s20 =	simm.s32 $0x13260;
	s21 =	simm.s32 $0x3;
	s22 =	simm.s32 $0x0  }
0x8: {  	[smem:$0x7FF] =	sst s2;
	s8 =	sand.u32 $0x1, s3;
	s11 =	smul.u32 $0x64000, s1  }
0x9: {  	s26 =	sshll.u32 s1, $0x1;
	s3 =	sadd.s32 $0x32A00, s4;
	s13 =	smul.u32 $0x1900, s1  }
0xa: {  	s9 =	sadd.s32 $0xA00, s4;
	s12 =	sadd.s32 $0x19A00, s4;
	s28 =	smul.u32 $0x32000, s8  }
0xb: {  	s5 =	sor.u32 s8, s26;
	s6 =	ssub.s32 $0x2, s8;
	s29 =	smul.u32 $0xC80, s8  }
0xc: {  	_ =	strace $0x80000047;
	s5 =	smul.u32 $0xC80, s5;
	s10 =	sshrl.u32 s6, $0x1  }
.Ltmp0:
0xd: {  	s7 =	sadd.s32 s11, s7;
	s30 =	sadd.s32 s13, s9;
	(pc) =	sbr.rel .LBB2_1-.Ltmp0, $4  }
0xe: {  	s31 =	sadd.s32 s13, s12;
	s11 =	simm.s32 $0x320;
	s13 =	simm.s32 $0x660  }
0xf: {  	s6 =	ssub.s32 s6, s10;
	s7 =	sadd.s32 s28, s7;
	s8 =	sadd.s32 s29, s30  }
0x10: {  	s10 =	simm.s32 $0x5;
	s4 =	sadd.s32 s9, s5;
	s5 =	sadd.s32 s12, s5  }
0x11: {  	s6 =	smax.u32 s6, $0x1;
	s9 =	sadd.s32 s29, s31;
	s12 =	simm.s32 $0x190  }
.LBB2_7:
0x12: {  	s22 =	sadd.s32 $0x1, s22  }
0x13: {  	_ =	swait.ge [sflag:s21], $0x6400;
	p0 =	sne.s32 s22, s6  }
.Ltmp1:
0x14: {  	[sflag:s21] =	ssyncset.done $0x0;
	(pc) =	sbr.rel @!p0 .LBB2_8-.Ltmp1, $4  }
0x15: {  	[sflag:s21] =	ssyncadd.s32 $0xFFFF9C00  }
0x16: {  	_ =	swait.ge [sflag:s19], $0x6400  }
0x17: {  	[sflag:s19] =	ssyncset.done $0x0  }
0x18: {  	[sflag:s19] =	ssyncadd.s32 $0xFFFF9C00  }
.LBB2_1:
0x19: {  	[tilespmem:s2], [sflag:$0x5] =	stream.linear.gather [hbm4b:s4+s2], $0x190, $0x38;
	[tilespmem:$0x19660] =	vst v63  }
0x1a: {  	_ =	swait.ge [sflag:s10], $0x190  }
0x1b: {  	[sflag:s10] =	ssyncset.done $0x0  }
0x1c: {  	[sflag:s10] =	ssyncadd.s32 $0xFFFFFE70  }
0x1d: {  	[tilespmem:s11], [sflag:$0x5] =	stream.linear.gather [hbm4b:s5+s2], $0x190, $0x38;
	[tilespmem:$0x19660] =	vst v63  }
0x1e: {  	_ =	swait.ge [sflag:s10], $0x190  }
0x1f: {  	[sflag:s10] =	ssyncset.done $0x0  }
0x20: {  	[sflag:s10] =	ssyncadd.s32 $0xFFFFFE70  }
0x21: {  	[tilespmem:s13], [sflag:$0x1] =	stream.indirect.gather [hbm4b:s3+s12], $0x40, s2, s12, $0xb8;
	[tilespmem:$0x19660] =	vst v63  }
0x22: {  	v0 =	vld [tilespmem:$0x320]  }
0x23: {  	v1 =	vld [tilespmem:$0x330]  }
0x24: {  	v2 =	vld [tilespmem:$0x340]  }
0x25: {  	v3 =	vld [tilespmem:$0x350]  }
0x26: {  	v4 =	vld [tilespmem:$0x360]  }
0x27: {  	v5 =	vld [tilespmem:$0x370];
	v0 =	vmul.f32 $8.000000000e+00, v0  }
0x28: {  	v6 =	vld [tilespmem:$0x380];
	v1 =	vmul.f32 $8.000000000e+00, v1  }
0x29: {  	v24 =	vld [tilespmem:$0x390];
	v23 =	vmul.f32 $8.000000000e+00, v2;
	[tilespmem:$0x320] =	vst v0  }
0x2a: {  	v26 =	vld [tilespmem:$0x3A0];
	v25 =	vmul.f32 $8.000000000e+00, v3;
	[tilespmem:$0x330] =	vst v1  }
0x2b: {  	v28 =	vld [tilespmem:$0x3B0];
	v27 =	vmul.f32 $8.000000000e+00, v4;
	[tilespmem:$0x340] =	vst v23  }
0x2c: {  	v30 =	vld [tilespmem:$0x3C0];
	v29 =	vmul.f32 $8.000000000e+00, v5;
	[tilespmem:$0x350] =	vst v25  }
0x2d: {  	v32 =	vld [tilespmem:$0x3D0];
	v31 =	vmul.f32 $8.000000000e+00, v6;
	[tilespmem:$0x360] =	vst v27  }
0x2e: {  	v34 =	vld [tilespmem:$0x3E0];
	v33 =	vmul.f32 $8.000000000e+00, v24;
	[tilespmem:$0x370] =	vst v29  }
0x2f: {  	v36 =	vld [tilespmem:$0x3F0];
	v35 =	vmul.f32 $8.000000000e+00, v26;
	[tilespmem:$0x380] =	vst v31  }
0x30: {  	v38 =	vld [tilespmem:$0x400];
	v37 =	vmul.f32 $8.000000000e+00, v28;
	[tilespmem:$0x390] =	vst v33  }
0x31: {  	v40 =	vld [tilespmem:$0x410];
	v39 =	vmul.f32 $8.000000000e+00, v30;
	[tilespmem:$0x3A0] =	vst v35  }
0x32: {  	v42 =	vld [tilespmem:$0x420];
	v41 =	vmul.f32 $8.000000000e+00, v32;
	[tilespmem:$0x3B0] =	vst v37  }
0x33: {  	v44 =	vld [tilespmem:$0x430];
	v43 =	vmul.f32 $8.000000000e+00, v34;
	[tilespmem:$0x3C0] =	vst v39  }
0x34: {  	v46 =	vld [tilespmem:$0x440];
	v45 =	vmul.f32 $8.000000000e+00, v36;
	[tilespmem:$0x3D0] =	vst v41  }
0x35: {  	v48 =	vld [tilespmem:$0x450];
	v47 =	vmul.f32 $8.000000000e+00, v38;
	[tilespmem:$0x3E0] =	vst v43  }
0x36: {  	v50 =	vld [tilespmem:$0x460];
	v49 =	vmul.f32 $8.000000000e+00, v40;
	[tilespmem:$0x3F0] =	vst v45  }
0x37: {  	v52 =	vld [tilespmem:$0x470];
	v51 =	vmul.f32 $8.000000000e+00, v42;
	[tilespmem:$0x400] =	vst v47  }
0x38: {  	v54 =	vld [tilespmem:$0x480];
	v53 =	vmul.f32 $8.000000000e+00, v44;
	[tilespmem:$0x410] =	vst v49  }
0x39: {  	v56 =	vld [tilespmem:$0x490];
	v55 =	vmul.f32 $8.000000000e+00, v46;
	[tilespmem:$0x420] =	vst v51  }
0x3a: {  	v58 =	vld [tilespmem:$0x4A0];
	v57 =	vmul.f32 $8.000000000e+00, v48;
	[tilespmem:$0x430] =	vst v53  }
0x3b: {  	v59 =	vmul.f32 $8.000000000e+00, v50;
	[tilespmem:$0x440] =	vst v55  }
0x3c: {  	v60 =	vmul.f32 $8.000000000e+00, v52;
	[tilespmem:$0x450] =	vst v57  }
.Ltmp2:
0x3d: {  	v61 =	vmul.f32 $8.000000000e+00, v54;
	[tilespmem:$0x460] =	vst v59;
	(pc) =	sbr.rel .LBB2_2-.Ltmp2, $4  }
0x3e: {  	v62 =	vmul.f32 $8.000000000e+00, v56;
	[tilespmem:$0x470] =	vst v60  }
0x3f: {  	v63 =	vmul.f32 $8.000000000e+00, v58;
	[tilespmem:$0x480] =	vst v61  }
0x40: {  	[tilespmem:$0x490] =	vst v62  }
0x41: {  	s23 =	smov.u32 s7;
	s24 =	simm.s32 $0x0;
	[tilespmem:$0x4A0] =	vst v63  }
.LBB2_3:
0x42: {  	_ =	swait.ge [sflag:s18], $0x6400  }
0x43: {  	[sflag:s18] =	ssyncset.done $0x0  }
0x44: {  	[sflag:s18] =	ssyncadd.s32 $0xFFFF9C00  }
.LBB2_5:
0x45: {  	_ =	swait.ge [sflag:s19], $0x6400  }
0x46: {  	[sflag:s19] =	ssyncset.done $0x0  }
0x47: {  	[sflag:s19] =	ssyncadd.s32 $0xFFFF9C00  }
.LBB2_6:
0x48: {  	s24 =	sadd.s32 $0x64, s24  }
0x49: {  	p0 =	sne.s32 s24, $0xC80  }
.Ltmp3:
0x4a: {  	_ = 	snop;
	(pc) =	sbr.rel @!p0 .LBB2_7-.Ltmp3, $3  }
0x4b: {  	_ =	sdelay $0x1  }
0x4c: {  	s25 =	sadd.s32 $0xC80, s23;
	s23 =	sadd.s32 $0x1900, s23  }
0x4d: {  	[hbm4b:s25+s2] =	stream.linear.scatter [tilespmem:s20], [sflag:$0x4], $0x6400, $0x38;
	[tilespmem:$0x19660] =	vst v63  }
.LBB2_2:
0x4e: {  	s25 =	sadd.s32 s24, s8  }
0x4f: {  	s26 =	sadd.s32 $0x32, s25  }
0x50: {  	[tilespmem:s12], [sflag:$0x5] =	stream.linear.gather [hbm4b:s26+s2], $0x190, $0x38;
	[tilespmem:$0x19660] =	vst v63  }
0x51: {  	_ =	swait.ge [sflag:s10], $0x190  }
0x52: {  	s26 =	sadd.s32 s24, s9;
	[sflag:s10] =	ssyncset.done $0x0  }
0x53: {  	s28 =	sadd.s32 $0x32, s26;
	[sflag:s10] =	ssyncadd.s32 $0xFFFFFE70  }
0x54: {  	[tilespmem:s14], [sflag:$0x5] =	stream.linear.gather [hbm4b:s28+s2], $0x190, $0x38;
	[tilespmem:$0x19660] =	vst v63  }
0x55: {  	_ =	swait.ge [sflag:s10], $0x190  }
0x56: {  	[sflag:s10] =	ssyncset.done $0x0  }
0x57: {  	[sflag:s10] =	ssyncadd.s32 $0xFFFFFE70  }
0x58: {  	[tilespmem:s15], [sflag:$0x2] =	stream.indirect.gather [hbm4b:s3+s12], $0x40, s12, s12, $0xb8;
	[tilespmem:$0x19660] =	vst v63  }
0x59: {  	v0 =	vld [tilespmem:$0x4C0]  }
0x5a: {  	v1 =	vld [tilespmem:$0x4D0]  }
0x5b: {  	v2 =	vld [tilespmem:$0x4E0]  }
0x5c: {  	v3 =	vld [tilespmem:$0x4F0]  }
0x5d: {  	v4 =	vld [tilespmem:$0x500]  }
0x5e: {  	v5 =	vld [tilespmem:$0x510];
	v0 =	vmul.f32 $8.000000000e+00, v0  }
0x5f: {  	v6 =	vld [tilespmem:$0x520];
	v1 =	vmul.f32 $8.000000000e+00, v1  }
0x60: {  	v24 =	vld [tilespmem:$0x530];
	v23 =	vmul.f32 $8.000000000e+00, v2;
	[tilespmem:$0x4C0] =	vst v0  }
0x61: {  	v26 =	vld [tilespmem:$0x540];
	v25 =	vmul.f32 $8.000000000e+00, v3;
	[tilespmem:$0x4D0] =	vst v1  }
0x62: {  	v28 =	vld [tilespmem:$0x550];
	v27 =	vmul.f32 $8.000000000e+00, v4;
	[tilespmem:$0x4E0] =	vst v23  }
0x63: {  	v30 =	vld [tilespmem:$0x560];
	v29 =	vmul.f32 $8.000000000e+00, v5;
	[tilespmem:$0x4F0] =	vst v25  }
0x64: {  	v32 =	vld [tilespmem:$0x570];
	v31 =	vmul.f32 $8.000000000e+00, v6;
	[tilespmem:$0x500] =	vst v27  }
0x65: {  	v34 =	vld [tilespmem:$0x580];
	v33 =	vmul.f32 $8.000000000e+00, v24;
	[tilespmem:$0x510] =	vst v29  }
0x66: {  	v36 =	vld [tilespmem:$0x590];
	v35 =	vmul.f32 $8.000000000e+00, v26;
	[tilespmem:$0x520] =	vst v31  }
0x67: {  	v38 =	vld [tilespmem:$0x5A0];
	v37 =	vmul.f32 $8.000000000e+00, v28;
	[tilespmem:$0x530] =	vst v33  }
0x68: {  	v40 =	vld [tilespmem:$0x5B0];
	v39 =	vmul.f32 $8.000000000e+00, v30;
	[tilespmem:$0x540] =	vst v35  }
0x69: {  	v42 =	vld [tilespmem:$0x5C0];
	v41 =	vmul.f32 $8.000000000e+00, v32;
	[tilespmem:$0x550] =	vst v37  }
0x6a: {  	v44 =	vld [tilespmem:$0x5D0];
	v43 =	vmul.f32 $8.000000000e+00, v34;
	[tilespmem:$0x560] =	vst v39  }
0x6b: {  	v46 =	vld [tilespmem:$0x5E0];
	v45 =	vmul.f32 $8.000000000e+00, v36;
	[tilespmem:$0x570] =	vst v41  }
0x6c: {  	v48 =	vld [tilespmem:$0x5F0];
	v47 =	vmul.f32 $8.000000000e+00, v38;
	[tilespmem:$0x580] =	vst v43  }
0x6d: {  	v50 =	vld [tilespmem:$0x600];
	v49 =	vmul.f32 $8.000000000e+00, v40;
	[tilespmem:$0x590] =	vst v45  }
0x6e: {  	v52 =	vld [tilespmem:$0x610];
	v51 =	vmul.f32 $8.000000000e+00, v42;
	[tilespmem:$0x5A0] =	vst v47  }
0x6f: {  	v54 =	vld [tilespmem:$0x620];
	v53 =	vmul.f32 $8.000000000e+00, v44;
	[tilespmem:$0x5B0] =	vst v49  }
0x70: {  	v56 =	vld [tilespmem:$0x630];
	v55 =	vmul.f32 $8.000000000e+00, v46;
	[tilespmem:$0x5C0] =	vst v51  }
0x71: {  	v58 =	vld [tilespmem:$0x640];
	v57 =	vmul.f32 $8.000000000e+00, v48;
	[tilespmem:$0x5D0] =	vst v53  }
0x72: {  	v59 =	vmul.f32 $8.000000000e+00, v50;
	[tilespmem:$0x5E0] =	vst v55  }
0x73: {  	v60 =	vmul.f32 $8.000000000e+00, v52;
	[tilespmem:$0x5F0] =	vst v57  }
0x74: {  	v61 =	vmul.f32 $8.000000000e+00, v54;
	[tilespmem:$0x600] =	vst v59  }
0x75: {  	v62 =	vmul.f32 $8.000000000e+00, v56;
	[tilespmem:$0x610] =	vst v60  }
0x76: {  	v63 =	vmul.f32 $8.000000000e+00, v58;
	[tilespmem:$0x620] =	vst v61  }
0x77: {  	[tilespmem:$0x630] =	vst v62  }
0x78: {  	[tilespmem:$0x640] =	vst v63  }
0x79: {  	_ =	swait.ge [sflag:s16], $0x6400  }
0x7a: {  	p0 =	seq.s32 s24, $0x0;
	p1 =	sne.s32 s24, $0xC1C;
	[sflag:s16] =	ssyncset.done $0x0  }
.Ltmp4:
0x7b: {  	s28 =	simm.s32 @!p0 $0x3;
	[sflag:s16] =	ssyncadd.s32 $0xFFFF9C00;
	(pc) =	sbr.rel @!p1 .LBB2_3-.Ltmp4, $4  }
0x7c: {  	_ =	swait.ge @!p0 [sflag:s28], $0x6400  }
0x7d: {  	[sflag:s28] =	ssyncset.done @!p0 $0x0  }
0x7e: {  	[sflag:s28] =	ssyncadd.s32 @!p0 $0xFFFF9C00  }
0x7f: {  	[hbm4b:s23+s2] =	stream.linear.scatter [tilespmem:s17], [sflag:$0x3], $0x6400, $0x38;
	[tilespmem:$0x19660] =	vst v63  }
0x80: {  	s25 =	sadd.s32 $0x64, s25  }
0x81: {  	[tilespmem:s2], [sflag:$0x5] =	stream.linear.gather [hbm4b:s25+s2], $0x190, $0x38;
	[tilespmem:$0x19660] =	vst v63  }
0x82: {  	_ =	swait.ge [sflag:s10], $0x190  }
0x83: {  	[sflag:s10] =	ssyncset.done $0x0  }
0x84: {  	s31 =	sadd.s32 $0x64, s26;
	[sflag:s10] =	ssyncadd.s32 $0xFFFFFE70  }
0x85: {  	[tilespmem:s11], [sflag:$0x5] =	stream.linear.gather [hbm4b:s31+s2], $0x190, $0x38;
	[tilespmem:$0x19660] =	vst v63  }
0x86: {  	_ =	swait.ge [sflag:s10], $0x190  }
0x87: {  	[sflag:s10] =	ssyncset.done $0x0  }
0x88: {  	[sflag:s10] =	ssyncadd.s32 $0xFFFFFE70  }
0x89: {  	[tilespmem:s13], [sflag:$0x1] =	stream.indirect.gather [hbm4b:s3+s12], $0x40, s2, s12, $0xb8;
	[tilespmem:$0x19660] =	vst v63  }
0x8a: {  	v0 =	vld [tilespmem:$0x320]  }
0x8b: {  	v1 =	vld [tilespmem:$0x330]  }
0x8c: {  	v2 =	vld [tilespmem:$0x340]  }
0x8d: {  	v3 =	vld [tilespmem:$0x350]  }
0x8e: {  	v4 =	vld [tilespmem:$0x360]  }
0x8f: {  	v5 =	vld [tilespmem:$0x370];
	v0 =	vmul.f32 $8.000000000e+00, v0  }
0x90: {  	v6 =	vld [tilespmem:$0x380];
	v1 =	vmul.f32 $8.000000000e+00, v1  }
0x91: {  	v24 =	vld [tilespmem:$0x390];
	v23 =	vmul.f32 $8.000000000e+00, v2;
	[tilespmem:$0x320] =	vst v0  }
0x92: {  	v26 =	vld [tilespmem:$0x3A0];
	v25 =	vmul.f32 $8.000000000e+00, v3;
	[tilespmem:$0x330] =	vst v1  }
0x93: {  	v28 =	vld [tilespmem:$0x3B0];
	v27 =	vmul.f32 $8.000000000e+00, v4;
	[tilespmem:$0x340] =	vst v23  }
0x94: {  	v30 =	vld [tilespmem:$0x3C0];
	v29 =	vmul.f32 $8.000000000e+00, v5;
	[tilespmem:$0x350] =	vst v25  }
0x95: {  	v32 =	vld [tilespmem:$0x3D0];
	v31 =	vmul.f32 $8.000000000e+00, v6;
	[tilespmem:$0x360] =	vst v27  }
0x96: {  	v34 =	vld [tilespmem:$0x3E0];
	v33 =	vmul.f32 $8.000000000e+00, v24;
	[tilespmem:$0x370] =	vst v29  }
0x97: {  	v36 =	vld [tilespmem:$0x3F0];
	v35 =	vmul.f32 $8.000000000e+00, v26;
	[tilespmem:$0x380] =	vst v31  }
0x98: {  	v38 =	vld [tilespmem:$0x400];
	v37 =	vmul.f32 $8.000000000e+00, v28;
	[tilespmem:$0x390] =	vst v33  }
0x99: {  	v40 =	vld [tilespmem:$0x410];
	v39 =	vmul.f32 $8.000000000e+00, v30;
	[tilespmem:$0x3A0] =	vst v35  }
0x9a: {  	v42 =	vld [tilespmem:$0x420];
	v41 =	vmul.f32 $8.000000000e+00, v32;
	[tilespmem:$0x3B0] =	vst v37  }
0x9b: {  	v44 =	vld [tilespmem:$0x430];
	v43 =	vmul.f32 $8.000000000e+00, v34;
	[tilespmem:$0x3C0] =	vst v39  }
0x9c: {  	v46 =	vld [tilespmem:$0x440];
	v45 =	vmul.f32 $8.000000000e+00, v36;
	[tilespmem:$0x3D0] =	vst v41  }
0x9d: {  	v48 =	vld [tilespmem:$0x450];
	v47 =	vmul.f32 $8.000000000e+00, v38;
	[tilespmem:$0x3E0] =	vst v43  }
0x9e: {  	v50 =	vld [tilespmem:$0x460];
	v49 =	vmul.f32 $8.000000000e+00, v40;
	[tilespmem:$0x3F0] =	vst v45  }
0x9f: {  	v52 =	vld [tilespmem:$0x470];
	v51 =	vmul.f32 $8.000000000e+00, v42;
	[tilespmem:$0x400] =	vst v47  }
0xa0: {  	v54 =	vld [tilespmem:$0x480];
	v53 =	vmul.f32 $8.000000000e+00, v44;
	[tilespmem:$0x410] =	vst v49  }
0xa1: {  	v56 =	vld [tilespmem:$0x490];
	v55 =	vmul.f32 $8.000000000e+00, v46;
	[tilespmem:$0x420] =	vst v51  }
0xa2: {  	v58 =	vld [tilespmem:$0x4A0];
	v57 =	vmul.f32 $8.000000000e+00, v48;
	[tilespmem:$0x430] =	vst v53  }
0xa3: {  	v59 =	vmul.f32 $8.000000000e+00, v50;
	[tilespmem:$0x440] =	vst v55  }
0xa4: {  	v60 =	vmul.f32 $8.000000000e+00, v52;
	[tilespmem:$0x450] =	vst v57  }
0xa5: {  	v61 =	vmul.f32 $8.000000000e+00, v54;
	[tilespmem:$0x460] =	vst v59  }
0xa6: {  	v62 =	vmul.f32 $8.000000000e+00, v56;
	[tilespmem:$0x470] =	vst v60  }
0xa7: {  	v63 =	vmul.f32 $8.000000000e+00, v58;
	[tilespmem:$0x480] =	vst v61  }
.Ltmp5:
0xa8: {  	[tilespmem:$0x490] =	vst v62;
	(pc) =	sbr.rel @!p0 .LBB2_5-.Ltmp5, $4  }
.Ltmp6:
0xa9: {  	[tilespmem:$0x4A0] =	vst v63;
	(pc) =	sbr.rel @p0 .LBB2_6-.Ltmp6, $4  }
0xaa: {  	_ =	swait.ge [sflag:s18], $0x6400  }
0xab: {  	[sflag:s18] =	ssyncset.done $0x0  }
0xac: {  	[sflag:s18] =	ssyncadd.s32 $0xFFFF9C00  }
0xad: {  	_ = 	snop  }
.LBB2_8:
0xae: {  	_ =	sfence.sel $0x180000  }
0xaf: {  	[bflag:$0x0] =	sbarrier.arrive $0xFFFF  }
0xb0: {  	p0 =	sne.s32 s1, $0x0;
	_ =	strace $0x90000047  }
0xb1: {  	s0 =	sadd.s32 @!p0 $0x100000, s0;
	[bflag:$0x2] =	sbarrier.arrive $0xFFFF  }
0xb2: {  	[sflag:s0] =	ssyncadd.tile.s32 @!p0 $0x1;
	_ =	shalt  }
.Lfunc_end2:
_tile_overlayer_lowered:
.L_overlay_start_2:
0xb3: {  	(tag) =	ssettag $0x2  }
0xb4: {  	s0 =	rddreg [dreg:$0x0];
	s2 =	stileid.u32  }
0xb5: {  	s1 =	rddreg [dreg:$0x1];
	p0 =	sne.s32 s2, $0x0  }
0xb6: {  	s3 =	rddreg [dreg:$0x2];
	[bflag:$0x3] =	sbarrier.arrive $0xFFFF;
	s2 =	simm.s32 @!p0 $0x1C05  }
0xb7: {  	[timem:s3], [sflag:s2] =	dma.local @!p0 [hbm:s0], s1  }
0xb8: {  	s0 =	simm.s32 @!p0 $0x5  }
0xb9: {  	_ =	swait.ge @!p0 [sflag:s0], s1  }
0xba: {  	s1 =	ssub.s32 @!p0 $0x0, s1;
	[sflag:s0] =	ssyncset.done @!p0 $0x0  }
0xbb: {  	[sflag:s0] =	ssyncadd.s32 @!p0 s1  }
0xbc: {  	[bflag:$0x3] =	sbarrier.arrive $0xFFFF  }
0xbd: {  	_ =	shalt  }

// kernel: sparse-core-data-format-call.cloned.1.call-start
scs
called_computation_lowered:
.L_overlay_start_0:
0x0: {  	s2 =	sld [smem:$0x3FD9]  }
0x1: {  	s3 =	sld [smem:$0x3FFE];
	_ =	sdelay $0x1  }
0x2: {  	s1 =	srdreg.scid  }
0x3: {  	s0 =	sand.u32 $0x1, s1  }
0x4: {  	s18 =	sshll.u32 s0, $0xA;
	s2 =	sadd.s32 s3, s2  }
0x5: {  	s2 =	sadd.s32 s2, s18  }
0x6: {  	[smem:$0x3FC5] =	sst s2  }
0x7: {  	_ = 	snop  }
0x8: {  	s2 =	sld [smem:$0x3FD0];
	(tm) =	ssettm $0x1  }
0x9: {  	s19 =	sld [smem:$0x3FFB];
	_ =	sdelay $0x3  }
0xa: {  	_ =	strace s19  }
0xb: {  	s3 =	sld [smem:$0x3FFC];
	_ =	sdelay $0x3  }
0xc: {  	_ =	strace s3  }
0xd: {  	s3 =	sld [smem:$0x3FFD];
	_ =	sdelay $0x3  }
0xe: {  	_ =	strace s3  }
0xf: {  	_ =	strace $0x8FFFFFFF  }
0x10: {  	s20 =	sld [smem:$0x3FDB];
	_ =	sdelay $0x1  }
0x11: {  	s4 =	simm.s32 $_scs_section_size  }
0x12: {  	s5 =	simm.s32 $_size__tile_overlayer_lowered;
	s6 =	simm.s32 $_tile_overlayer_lowered  }
0x13: {  	s23 =	simm.s32 $0x1BFF;
	s22 =	sshll.u32 s6, $0x1;
	s3 =	sadd.s32 s4, s20  }
0x14: {  	s7 =	simm.s32 $0x0;
	s21 =	sshll.u32 s5, $0x1;
	s5 =	sadd.s32 s22, s3  }
0x15: {  	[timem:s7], [sflag:s23] =	dma.local [hbm:s5], s21  }
0x16: {  	_ =	swait.ge [sflag:s23], s21  }
0x17: {  	s4 =	ssub.s32 $0x0, s21;
	[sflag:s23] =	ssyncset.done $0x0  }
0x18: {  	[sflag:s23] =	ssyncadd.s32 s4;
	_ =	sdelay $0x1  }
0x19: {  	s24 =	simm.s32 $0x1B8B  }
0x1a: {  	_ =	swait.ge [sflag:s24], $0x1  }
0x1b: {  	[sflag:s24] =	ssyncset.done $0x0  }
0x1c: {  	s26 =	simm.s32 $0x1B8E;
	s25 =	sld [smem:$0x3FFE];
	[sflag:s24] =	ssyncadd.s32 $0xFFFFFFFF  }
0x1d: {  	s27 =	simm.s32 $execute0_lowered;
	[smem:$0x3FD2] =	sst s26  }
0x1e: {  	s5 =	sshll.u32 s27, $0x1;
	_ =	strace $0x80000049;
	[dreg:$0x1] =	wrdreg $0xFFFFFFFF  }
0x1f: {  	s28 =	simm.s32 $_size_execute0_lowered;
	s3 =	sadd.s32 s3, s5;
	[dreg:$0x0] =	wrdreg $0x0  }
0x20: {  	s5 =	sshll.u32 s28, $0x1;
	[dreg:$0x2] =	wrdreg s3  }
0x21: {  	[dreg:$0x3] =	wrdreg s5  }
0x22: {  	[dreg:$0x4] =	wrdreg $0xC0  }
0x23: {  	_ =	task [dreg:s7], $0x5FFFF  }
0x24: {  	[dreg:$0x1] =	wrdreg $0xFFFFFFFF  }
0x25: {  	[dreg:$0x0] =	wrdreg $0x60  }
0x26: {  	[dreg:$0x2] =	wrdreg s25  }
0x27: {  	[dreg:$0x3] =	wrdreg s2  }
0x28: {  	[dreg:$0x4] =	wrdreg $0x9  }
0x29: {  	_ =	task.clear_ibuf [dreg:s7], $0x5FFFF;
	_ =	strace $0x90000049  }
0x2a: {  	s29 =	simm.s32 $0x9;
	_ =	strace $0x8000004B  }
0x2b: {  	_ =	swait.ge [sflag:s29], $0x1  }
0x2c: {  	[sflag:s29] =	ssyncadd.s32 $0xFFFFFFFF  }
0x2d: {  	_ =	strace $0x9000004B  }
0x2e: {  	_ =	sfence  }
0x2f: {  	s30 =	sld [smem:$0x0];
	_ =	sdelay $0x2  }
0x30: {  	s31 =	sshll.u32 s1, $0xD;
	s1 =	sshrl.u32 s1, $0x2  }
0x31: {  	s3 =	sand.u32 $0x4000, s31;
	s1 =	sadd.s32 s1, s30  }
0x32: {  	s0 =	sor.u32 s3, s0;
	s1 =	sshll.u32 s1, $0x11  }
0x33: {  	s0 =	sor.u32 s1, s0  }
0x34: {  	s0 =	sadd.s32 $0x8F2B, s0  }
0x35: {  	[sflag:s0] =	ssyncadd.remote.s32 $0x1  }
0x36: {  	_ =	sfence.sel $0xFFFF  }
0x37: {  	[dreg:$0x0] =	wrdreg $0xFFFFFFFF;
	(pc) =	sbr.abs _section_cstart, $3  }
0x38: {  	[dreg:$0x1] =	wrdreg $0xFFFFFFFF  }
0x39: {  	_ =	task.clear_ibuf [dreg:s7], $0x2FFFF;
	_ =	strace $0x9FFFFFFF  }
0x3a: {  	(tm) =	ssettm $0x7FFFFFFF  }
0x3b: {  	_ =	shalt  }
tec
execute0_lowered:
.L_overlay_start_1:
0x0: {  	(tag) =	ssettag $0x1  }
0x1: {  	s5 =	rddreg [dreg:$0x0]  }
0x2: {  	s0 =	srdreg.scid;
	s3 =	rddreg [dreg:$0x1];
	s7 =	simm.s32 $0x1  }
0x3: {  	s8 =	simm.s32 $0x2;
	s16 =	simm.s32 $0x0;
	s1 =	sshll.u32 s0, $0x4  }
0x4: {  	s18 =	simm.s32 $0x0;
	s0 =	stileid.u32;
	s1 =	sand.u32 $0x10, s1  }
0x5: {  	s17 =	simm.s32 $0x0;
	s9 =	simm.s32 $0x0;
	s1 =	sor.u32 s0, s1  }
0x6: {  	s10 =	simm.s32 $0x0;
	s11 =	simm.s32 $0x0;
	s2 =	sshll.u32 s1, $0x7  }
0x7: {  	s12 =	simm.s32 $0x0;
	s13 =	simm.s32 $0x0;
	s6 =	ssub.s32 $0x1000, s2  }
0x8: {  	s15 =	simm.s32 $0x0;
	s5 =	sadd.s32 $0xA00, s5;
	s4 =	sand.u32 $0xF80, s6  }
.Ltmp0:
0x9: {  	s1 =	rddreg [dreg:$0x2];
	p0 =	sne.s32 s4, $0x0;
	(pc) =	sbr.rel .LBB1_1-.Ltmp0, $4  }
0xa: {  	_ =	strace $0x8000004A;
	s6 =	sshrl.u32 s6, $0xC;
	s7 =	simm.s32 @!p0 $0x0  }
0xb: {  	s14 =	smov.u32 s2;
	s4 =	simm.s32 $0x1;
	s6 =	sadd.s32 s7, s6  }
0xc: {  	[sflag:s4] =	ssyncpa.u1 $0x0;
	p0 =	por $0x0, $0x0;
	s6 =	sshll.u32 s6, $0x7  }
0xd: {  	[sflag:s8] =	ssyncpa.u1 $0x0;
	s8 =	simm.s32 $0x8000;
	s7 =	sor.u32 $0x1, s6  }
.LBB1_4:
0xe: {  	s23 =	sshra.s32 s23, $0x2;
	s30 =	sshll.u32 s9, $0xC  }
0xf: {  	p1 =	sgt.s32 s10, $0x3F;
	s24 =	smov.u32 s10;
	s25 =	sshra.s32 s10, $0x1F  }
0x10: {  	s26 =	sshll.u32 s11, $0x3;
	s28 =	smov.u32 s11;
	s29 =	sshra.s32 s11, $0x1F  }
0x11: {  	s22 =	sadd.s32 s23, s22;
	s24 =	simm.s32 @!p1 $0x3F;
	s25 =	sand.u32 s25, s10  }
0x12: {  	s23 =	sand.u32 $0xFFFF8000, s30;
	s27 =	sand.u32 $0xFFFFFC00, s26;
	p1 =	sgt.s32 s9, $0x48  }
0x13: {  	s31 =	sand.u32 s29, s11;
	s29 =	sshll.u32 s9, $0x7;
	s30 =	sshra.s32 s9, $0x1F  }
0x14: {  	[tilespmem:s21+$0x2040 ss:$0x81] =	vst.msk $0xffff, v4;
	s24 =	ssub.s32 s24, s25;
	s23 =	sadd.s32 s27, s23;
	s27 =	smov.u32 s9  }
0x15: {  	[tilespmem:s21+$0x2850 ss:$0x81] =	vst.msk $0xffff, v3;
	s29 =	sand.u32 $0x380, s29;
	s25 =	sadd.s32 $0xFFFFFFC1, s24;
	s27 =	simm.s32 @!p1 $0x48  }
0x16: {  	v5 =	vld [tilespmem:s20+$0xFFFFFFD0];
	[tilespmem:s21+$0x3060 ss:$0x81] =	vst.msk $0xffff, v2;
	p1 =	sgt.s32 s11, $0xF80;
	s23 =	sshrl.u32 s23, $0xC;
	s24 =	ssub.s32 $0x40, s24  }
0x17: {  	v58 =	vld [tilespmem:s20+$0xFFFFFFE0];
	[tilespmem:s21+$0x0 ss:$0x81] =	vst.msk $0xffff, v1;
	s28 =	simm.s32 @!p1 $0xF80;
	p1 =	sgt.s32 s25, $0x0;
	s21 =	smulhi.u32 $0x147AE15, s23  }
0x18: {  	v59 =	vld [tilespmem:s20+$0xFFFFFFF0];
	s25 =	ssub.s32 s28, s31;
	s28 =	sand.u32 s30, s9;
	s24 =	simm.s32 @p1 $0x0  }
0x19: {  	v60 =	vld [tilespmem:s20+$0x0];
	s27 =	ssub.s32 s27, s28;
	s31 =	sadd.s32 $0xFFFFF080, s25;
	s25 =	ssub.s32 $0x1000, s25  }
0x1a: {  	v61 =	vld [tilespmem:s20+$0x10];
	[tilespmem:s22+$0x3870 ss:$0x81] =	vst.msk $0xffff, v0;
	s21 =	smul.u32 $0xC8, s21;
	s28 =	sand.u32 $0x7, s11;
	p1 =	sgt.s32 s31, $0x7F  }
0x1b: {  	v62 =	vld [tilespmem:s20+$0x20];
	[tilespmem:s22+$0x810 ss:$0x81] =	vst.msk $0xffff, v5;
	s30 =	sadd.s32 $0xFFFFFFB8, s27;
	s31 =	sand.u32 $0x78, s11;
	s25 =	simm.s32 @p1 $0x0  }
0x1c: {  	v63 =	vld [tilespmem:s20+$0xFFFFFFC0];
	[tilespmem:s22+$0x1020 ss:$0x81] =	vst.msk $0xffff, v58;
	p1 =	sgt.s32 s30, $0x7F;
	s30 =	sand.u32 $0xC00, s26;
	s24 =	smul.u32 s25, s24  }
0x1d: {  	[tilespmem:s22+$0x1830 ss:$0x81] =	vst.msk $0xffff, v59;
	s26 =	ssub.s32 $0xC8, s27;
	s20 =	sor.u32 s31, s30;
	s31 =	smul.u32 $0x19000, s10  }
0x1e: {  	[tilespmem:s22+$0x2040 ss:$0x81] =	vst.msk $0xffff, v60;
	s21 =	ssub.s32 s23, s21;
	s26 =	simm.s32 @p1 $0x0;
	s20 =	sor.u32 s29, s20  }
0x1f: {  	[tilespmem:s22+$0x2850 ss:$0x81] =	vst.msk $0xffff, v61;
	s26 =	smul.u32 s26, s24;
	s20 =	sshrl.u32 s20, $0x3;
	s27 =	sadd.s32 s3, s31  }
0x20: {  	[tilespmem:s22+$0x3060 ss:$0x81] =	vst.msk $0xffff, v62;
	s21 =	sshll.u32 s21, $0x9;
	s29 =	sshll.u32 s28, $0x12;
	s20 =	sadd.s32 s20, s27  }
0x21: {  	[tilespmem:s22+$0x0 ss:$0x81] =	vst.msk $0xffff, v63;
	s31 =	sor.u32 $0x400, s29;
	s30 =	sand.u32 $0x3FFFFFFF, s26;
	s20 =	sadd.s32 s21, s20  }
0x22: {  	[hbm4b:s20+s31] =	stream.strided.scatter [tilespmem:s19], [sflag:$0x2], s30, s8, s31, $0x20;
	[tilespmem:$0x10100] =	vst v63  }
.LBB1_5:
0x23: {  	p1 =	slt.u32 s15, $0x2  }
0x24: {  	p2 =	sgt.s32 @!p1 s18, $0x3F  }
0x25: {  	s19 =	smov.u32 s18;
	s20 =	sshra.s32 @!p1 s18, $0x1F;
	p2 =	por !p2, p1  }
0x26: {  	s18 =	sand.u32 @!p1 s20, s18;
	s19 =	simm.s32 @p2 $0x3F  }
0x27: {  	p3 =	sgt.s32 @!p1 s16, $0x48;
	s18 =	ssub.s32 @!p1 s19, s18  }
0x28: {  	p4 =	sgt.s32 @!p1 s17, $0xF80;
	s21 =	sshra.s32 @!p1 s17, $0x1F;
	s19 =	sadd.s32 @!p1 $0xFFFFFFC1, s18  }
0x29: {  	s20 =	smov.u32 s16;
	p2 =	sgt.s32 @!p1 s19, $0x0;
	s19 =	sshra.s32 @!p1 s16, $0x1F  }
0x2a: {  	p4 =	por !p4, p1;
	s16 =	sand.u32 @!p1 s19, s16;
	s19 =	smov.u32 s17  }
0x2b: {  	p3 =	por !p3, p1;
	s17 =	sand.u32 @!p1 s21, s17;
	s19 =	simm.s32 @p4 $0xF80  }
0x2c: {  	s20 =	simm.s32 @p3 $0x48;
	s18 =	ssub.s32 @!p1 $0x40, s18;
	s17 =	ssub.s32 @!p1 s19, s17  }
0x2d: {  	p2 =	por !p2, p1;
	s16 =	ssub.s32 @!p1 s20, s16;
	s20 =	sadd.s32 @!p1 $0xFFFFF080, s17  }
0x2e: {  	s18 =	simm.s32 @!p2 $0x0;
	p3 =	sgt.s32 @!p1 s20, $0x7F  }
0x2f: {  	s19 =	sadd.s32 @!p1 $0xFFFFFFB8, s16;
	s17 =	ssub.s32 @!p1 $0x1000, s17;
	p3 =	por !p3, p1  }
0x30: {  	p2 =	sgt.s32 @!p1 s19, $0x7F;
	s19 =	sadd.s32 $0x80, s12;
	s17 =	simm.s32 @!p3 $0x0  }
0x31: {  	p3 =	sgt.s32 s19, $0xC7;
	s17 =	smul.u32 @!p1 s17, s18;
	s18 =	simm.s32 $0x1  }
0x32: {  	s16 =	ssub.s32 @!p1 $0xC8, s16;
	p2 =	por !p2, p1;
	s18 =	simm.s32 @!p3 $0x0  }
0x33: {  	s21 =	smov.u32 s14;
	s16 =	simm.s32 @!p2 $0x0;
	s20 =	sadd.s32 s18, s13  }
0x34: {  	s16 =	smul.u32 @!p1 s16, s17;
	s17 =	sadd.s32 $0x1000, s14;
	p2 =	sgt.s32 s20, $0x3F  }
0x35: {  	p0 =	por !p0, !p0;
	s22 =	simm.s32 @!p1 $0x2;
	s21 =	smov.u32 @p2 s17  }
0x36: {  	s19 =	simm.s32 @p3 $0x0;
	s20 =	simm.s32 @p2 $0x0;
	p2 =	sgt.s32 s21, $0xFFF  }
0x37: {  	s18 =	smov.u32 s10;
	s21 =	smov.u32 @p2 s2;
	p2 =	sne.s32 s15, s7  }
.Ltmp1:
0x38: {  	s10 =	smov.u32 s13;
	s16 =	sand.u32 @!p1 $0x3FFFFFFF, s16;
	(pc) =	sbr.rel @!p2 .LBB1_6-.Ltmp1, $4  }
0x39: {  	s17 =	smov.u32 s11;
	s11 =	smov.u32 s14;
	_ =	swait.ge @!p1 [sflag:s22], s16  }
0x3a: {  	s23 =	ssub.s32 @!p1 $0x0, s16;
	s16 =	smov.u32 s9;
	s9 =	smov.u32 s12  }
0x3b: {  	s12 =	smov.u32 s19;
	s13 =	smov.u32 s20;
	[sflag:s22] =	ssyncset.done @!p1 $0x0  }
0x3c: {  	s15 =	sadd.s32 $0x1, s15;
	[sflag:s22] =	ssyncadd.s32 @!p1 s23;
	s14 =	smov.u32 s21  }
.LBB1_1:
0x3d: {  	p1 =	sge.u32 s15, s6  }
0x3e: {  	s31 =	sadd.s32 $0xFFFFFFFF, s15;
	s19 =	sxor.u32 @!p1 $0xFFFFFFFF, s15  }
0x3f: {  	s20 =	sshll.u32 @!p1 s13, $0x8;
	s21 =	sshll.u32 @!p1 s12, $0x3;
	s22 =	sshll.u32 @!p1 s13, $0x7  }
0x40: {  	s23 =	sand.u32 @!p1 $0x78, s12;
	s20 =	sand.u32 @!p1 $0x3800, s20;
	s21 =	sand.u32 @!p1 $0x3C00, s21  }
0x41: {  	s19 =	sshll.u32 @!p1 s19, $0xE;
	s20 =	sadd.s32 @!p1 s20, s21;
	s21 =	sand.u32 @!p1 $0x300, s22  }
0x42: {  	s19 =	sand.u32 @!p1 $0x4000, s19;
	s20 =	sor.u32 @!p1 s21, s20;
	s21 =	sand.u32 @!p1 $0x80, s22  }
0x43: {  	s22 =	sshll.u32 @!p1 s14, $0xB;
	s21 =	sor.u32 @!p1 s23, s21;
	s20 =	sshrl.u32 @!p1 s20, $0x3  }
0x44: {  	s22 =	sadd.s32 @!p1 s5, s22;
	s23 =	sand.u32 @!p1 $0x7, s12;
	s21 =	sshrl.u32 @!p1 s21, $0x3  }
0x45: {  	s20 =	sand.u32 @!p1 $0x7E0, s20;
	s21 =	sadd.s32 @!p1 s21, s22;
	s22 =	sshll.u32 @!p1 s23, $0x12  }
0x46: {  	s20 =	sadd.s32 @!p1 s20, s21;
	s21 =	sor.u32 @!p1 $0x80, s22;
	s22 =	simm.s32 @!p1 $0x4000  }
0x47: {  	[tilespmem:s19], [sflag:$0x1] =	stream.strided.gather @!p1 [hbm4b:s20+s21], $0x4000, s22, s21, $0x38;
	[tilespmem:$0x10100] =	vst v63  }
0x48: {  	p1 =	sge.u32 s31, s6  }
.Ltmp2:
0x49: {  	_ = 	snop;
	(pc) =	sbr.rel @p1 .LBB1_5-.Ltmp2, $1  }
0x4a: {  	_ =	sdelay $0x3  }
0x4b: {  	s19 =	simm.s32 $0x1  }
0x4c: {  	_ =	swait.ge [sflag:s4], $0x4000;
	s19 =	simm.s32 @!p0 $0x0  }
0x4d: {  	[sflag:s4] =	ssyncset.done $0x0;
	s20 =	sshll.u32 s19, $0xE  }
0x4e: {  	[sflag:s4] =	ssyncadd.s32 $0xFFFFC000;
	s20 =	sor.u32 $0x40, s20  }
0x4f: {  	s19 =	smul.u32 $0x10200, s19;
	v0 =	vld [tilespmem:s20+$0x30]  }
0x50: {  	v1 =	vld [tilespmem:s20+$0xFFFFFFD0]  }
0x51: {  	s19 =	sshrl.u32 s19, $0x2;
	v5 =	vld [tilespmem:s20+$0xFFFFFFE0]  }
0x52: {  	v6 =	vld [tilespmem:s20+$0xFFFFFFF0];
	s22 =	sor.u32 $0x8000, s19  }
0x53: {  	s31 =	sand.u32 $0x1, s15;
	v4 =	vld [tilespmem:s20+$0x0];
	s21 =	sadd.s32 $0x0, s22  }
0x54: {  	v3 =	vld [tilespmem:s20+$0x10];
	s19 =	smul.u32 $0x10200, s31;
	[tilespmem:s21+$0x3870 ss:$0x81] =	vst.msk $0xffff, v0  }
0x55: {  	v2 =	vld [tilespmem:s20+$0x20];
	[tilespmem:s21+$0x810 ss:$0x81] =	vst.msk $0xffff, v1  }
0x56: {  	s19 =	sshrl.u32 s19, $0x2;
	v1 =	vld [tilespmem:s20+$0xFFFFFFC0];
	[tilespmem:s21+$0x1020 ss:$0x81] =	vst.msk $0xffff, v5;
	s20 =	sadd.s32 $0x80, s20  }
0x57: {  	s23 =	simm.s32 $0x4;
	s24 =	simm.s32 $0x8;
	s19 =	sor.u32 $0x8000, s19;
	[tilespmem:s21+$0x1830 ss:$0x81] =	vst.msk $0xffff, v6;
	v0 =	vld [tilespmem:s20+$0x30]  }
.LBB1_3:
0x58: {  	p1 =	sne.s32 s24, $0x1FC;
	v5 =	vld [tilespmem:s20+$0xFFFFFFD0];
	[tilespmem:s21+$0x2040 ss:$0x81] =	vst.msk $0xffff, v4  }
0x59: {  	v6 =	vld [tilespmem:s20+$0xFFFFFFE0];
	[tilespmem:s21+$0x2850 ss:$0x81] =	vst.msk $0xffff, v3  }
0x5a: {  	s25 =	sshra.s32 s23, $0x2;
	s23 =	smov.u32 s24;
	v7 =	vld [tilespmem:s20+$0xFFFFFFF0];
	[tilespmem:s21+$0x3060 ss:$0x81] =	vst.msk $0xffff, v2  }
.Ltmp3:
0x5b: {  	v4 =	vld [tilespmem:s20+$0x0];
	[tilespmem:s21+$0x0 ss:$0x81] =	vst.msk $0xffff, v1;
	s21 =	sadd.s32 s25, s22;
	(pc) =	sbr.rel @p1 .LBB1_3-.Ltmp3, $4  }
0x5c: {  	v3 =	vld [tilespmem:s20+$0x10];
	[tilespmem:s21+$0x3870 ss:$0x81] =	vst.msk $0xffff, v0  }
0x5d: {  	[tilespmem:s21+$0x810 ss:$0x81] =	vst.msk $0xffff, v5;
	v2 =	vld [tilespmem:s20+$0x20]  }
0x5e: {  	v1 =	vld [tilespmem:s20+$0xFFFFFFC0];
	[tilespmem:s21+$0x1020 ss:$0x81] =	vst.msk $0xffff, v6;
	s20 =	sadd.s32 $0x80, s20  }
0x5f: {  	s24 =	sadd.s32 $0x4, s24;
	v0 =	vld [tilespmem:s20+$0x30];
	[tilespmem:s21+$0x1830 ss:$0x81] =	vst.msk $0xffff, v7  }
.Ltmp4:
0x60: {  	_ = 	snop;
	(pc) =	sbr.rel .LBB1_4-.Ltmp4, $1  }
0x61: {  	_ =	sdelay $0x3  }
.LBB1_6:
0x62: {  	_ =	sfence.sel $0x180000  }
0x63: {  	s2 =	simm.s32 $0x1;
	[bflag:$0x0] =	sbarrier.arrive $0xFFFF  }
0x64: {  	s31 =	simm.s32 $0x2;
	[sflag:s2] =	ssyncpa.u1 $0x1  }
0x65: {  	[sflag:s31] =	ssyncpa.u1 $0x1  }
0x66: {  	p0 =	sne.s32 s0, $0x0;
	_ =	strace $0x9000004A  }
0x67: {  	s0 =	sadd.s32 @!p0 $0x100000, s1;
	[bflag:$0x2] =	sbarrier.arrive $0xFFFF  }
0x68: {  	[sflag:s0] =	ssyncadd.tile.s32 @!p0 $0x1;
	_ =	shalt  }
.Lfunc_end1:
_tile_overlayer_lowered:
.L_overlay_start_2:
0x69: {  	(tag) =	ssettag $0x2  }
0x6a: {  	s0 =	rddreg [dreg:$0x0];
	s2 =	stileid.u32  }
0x6b: {  	s1 =	rddreg [dreg:$0x1];
	p0 =	sne.s32 s2, $0x0  }
0x6c: {  	s3 =	rddreg [dreg:$0x2];
	[bflag:$0x3] =	sbarrier.arrive $0xFFFF;
	s2 =	simm.s32 @!p0 $0x1C01  }
0x6d: {  	[timem:s3], [sflag:s2] =	dma.local @!p0 [hbm:s0], s1  }
0x6e: {  	s0 =	simm.s32 @!p0 $0x1  }
0x6f: {  	_ =	swait.ge @!p0 [sflag:s0], s1  }
0x70: {  	s1 =	ssub.s32 @!p0 $0x0, s1;
	[sflag:s0] =	ssyncset.done @!p0 $0x0  }
0x71: {  	[sflag:s0] =	ssyncadd.s32 @!p0 s1  }
0x72: {  	[bflag:$0x3] =	sbarrier.arrive $0xFFFF  }
0x73: {  	_ =	shalt  }

</sc_bundles>
